<compile_context>
chip_gen: v7x
topology: tpu7x:2x2x1
jax: 0.10.2.dev20260603
libtpu: 0.0.44.dev20260713+nightly
codegen_flags: <defaults>
</compile_context>

<pallas_src>
import functools

import jax
import jax.numpy as jnp
from jax import lax
from jax.experimental import pallas as pl
from jax.experimental.pallas import tpu as pltpu
from jax.experimental.pallas import tpu_sc as plsc

_K = 8
_L = 16
_N = 8192
_B = 32
_R = 32
_NW = 32
_RPW = (_B * _R) // _NW
_GSZ = _L * _L
_NG = _N // _GSZ
_NEG = float("-inf")


_NBUF = 8


_SPLIT = 8
_RPW_H = _R - _SPLIT


def _sc_body(x_hbm, out_hbm, buf, bm, cand, outb,
             sem0, sem1, sem2, sem3, sem4, sem5, sem6, sem7):
    w = lax.axis_index("s") * 2 + lax.axis_index("c")
    row0 = _SPLIT * _R + w * _RPW_H
    iota = lax.iota(jnp.int32, _L)
    neg = jnp.full((_L,), _NEG, jnp.float32)

    sems = (sem0, sem1, sem2, sem3, sem4, sem5, sem6, sem7)

    for p in range(_NBUF - 1):
        pltpu.async_copy(x_hbm.at[row0 + p], buf.at[pl.ds(p * _N, _N)],
                         sems[p])

    def row_step(r, carry):
        par = lax.rem(r, _NBUF)

        @pl.when(r < _RPW_H - (_NBUF - 1))
        def _start_next():
            src = x_hbm.at[row0 + r + (_NBUF - 1)]
            npar = lax.rem(r + (_NBUF - 1), _NBUF)
            for p in range(_NBUF):
                @pl.when(npar == p)
                def _(p=p):
                    pltpu.async_copy(src, buf.at[pl.ds(p * _N, _N)],
                                     sems[p])

        for p in range(_NBUF):
            @pl.when(par == p)
            def _(p=p):
                pltpu.make_async_copy(x_hbm.at[row0],
                                      buf.at[pl.ds(p * _N, _N)],
                                      sems[p]).wait()

        rb = par * _N

        def a_body(g, acc):
            base = rb + g * _GSZ
            m = buf[pl.ds(base, _L)]
            for j in range(1, _L):
                m = jnp.maximum(m, buf[pl.ds(base + j * _L, _L)])
            bm[pl.ds(g * _L, _L)] = m
            return jnp.maximum(acc, m)

        lmax = lax.fori_loop(0, _NG, a_body, neg)

        lsort, _ = plsc.sort_key_val(lmax, lmax, descending=True)
        thresh = lsort[_K - 1]

        cnt = jnp.int32(0)
        for g in range(_NG):
            m = bm[pl.ds(g * _L, _L)]
            msk = m >= thresh
            ids = iota + g * _L
            plsc.store_compressed(cand.at[pl.ds(cnt, _L)], ids, mask=msk)
            pc = plsc.all_reduce_population_count(msk)
            cnt = cnt + pc[0]

        def d_cond(st):
            return st[0] * _L < cnt

        def d_body(st):
            c = st[0]
            ts = list(st[1:])
            off = c * _L
            lanes_ok = (iota + off) < cnt
            ids = jnp.where(lanes_ok, cand[pl.ds(off, _L)], 0)
            bvec = rb + jnp.right_shift(ids, 4) * _GSZ + \
                jnp.bitwise_and(ids, _L - 1)
            for j in range(_L):
                v = plsc.load_gather(buf, [bvec + j * _L], mask=lanes_ok)
                t = jnp.where(lanes_ok, v, neg)
                for i in range(_K):
                    hi = jnp.maximum(ts[i], t)
                    t = jnp.minimum(ts[i], t)
                    ts[i] = hi
            return (c + 1, *ts)

        st = lax.while_loop(d_cond, d_body,
                            (jnp.int32(0),) + (neg,) * _K)
        ts = list(st[1:])

        def msort(v):
            s, _ = plsc.sort_key_val(v, v, descending=True)
            return s

        def merge(a, b):
            return msort(jnp.maximum(a, lax.rev(b, (0,))))

        s = [msort(v) for v in ts]
        s = [merge(s[0], s[1]), merge(s[2], s[3]),
             merge(s[4], s[5]), merge(s[6], s[7])]
        top = merge(merge(s[0], s[1]), merge(s[2], s[3]))
        plsc.store_compressed(outb.at[pl.ds(r * _K, _L)], top,
                              mask=iota < _K)
        return carry

    lax.fori_loop(0, _RPW_H, row_step, 0)
    pltpu.sync_copy(outb.at[pl.ds(0, _RPW_H * _K)],
                    out_hbm.at[pl.ds(w * _RPW_H * _K, _RPW_H * _K)])


def _tc_body(x_ref, o_ref):
    xv = x_ref[0]
    rr, n = xv.shape
    col = lax.broadcasted_iota(jnp.int32, (rr, n), 1)
    outs = []
    for _ in range(_K):
        m = jnp.max(xv, axis=1, keepdims=True)
        eq = xv == m
        first = jnp.min(jnp.where(eq, col, n), axis=1, keepdims=True)
        xv = jnp.where(col == first, _NEG, xv)
        outs.append(m)
    o_ref[0] = jnp.concatenate(outs, axis=1)


def kernel(x):
    b, r, n = x.shape
    xf = x.reshape(b * r, n)

    tc_out = pl.pallas_call(
        _tc_body,
        grid=(_SPLIT,),
        in_specs=[pl.BlockSpec((1, r, n), lambda i: (i, 0, 0))],
        out_specs=pl.BlockSpec((1, r, _K), lambda i: (i, 0, 0)),
        out_shape=jax.ShapeDtypeStruct((_SPLIT, r, _K), jnp.float32),
    )(x).reshape(_SPLIT, r * _K)

    mesh = plsc.VectorSubcoreMesh(core_axis_name="c", subcore_axis_name="s",
                                  num_cores=2, num_subcores=16)
    run = pl.kernel(
        _sc_body,
        out_type=jax.ShapeDtypeStruct(((_B - _SPLIT) * _R * _K,),
                                      jnp.float32),
        mesh=mesh,
        scratch_types=[
            pltpu.VMEM((_NBUF * _N,), jnp.float32),
            pltpu.VMEM((_NG * _L,), jnp.float32),
            pltpu.VMEM((_NG * _L + 2 * _L,), jnp.int32),
            pltpu.VMEM((_RPW_H * _K + _L,), jnp.float32),
            pltpu.SemaphoreType.DMA,
            pltpu.SemaphoreType.DMA,
            pltpu.SemaphoreType.DMA,
            pltpu.SemaphoreType.DMA,
            pltpu.SemaphoreType.DMA,
            pltpu.SemaphoreType.DMA,
            pltpu.SemaphoreType.DMA,
            pltpu.SemaphoreType.DMA,
        ],
        compiler_params=pltpu.CompilerParams(needs_layout_passes=False),
    )
    sc_out = run(xf).reshape(_B - _SPLIT, _R * _K)
    return jnp.concatenate([tc_out, sc_out], axis=0)

# --- scband reference (transcript-rebuilt; emitter-appended) ---
"""Pipeline reference for scband-deep-set-top-k-54254026883184 (READ-ONLY COPY).

The authoritative reference and input builder live on the scoring server;
editing this copy changes nothing except your own understanding.
"""

import jax, jax.numpy as jnp
import numpy as np

K = 8

def setup_inputs(seed: int = 0) -> dict:
    key = jax.random.key(seed)
    x = jax.random.normal(key, (32, 32, 8192), dtype=jnp.float32)
    return {"x": x}

def reference(x):
    # torch.topk(x, k, axis=2)[0].reshape(B, -1)
    vals, _ = jax.lax.top_k(x, K)
    return vals.reshape(x.shape[0], -1)

if __name__ == "__main__":
    import jax
    _d = setup_inputs()
    print(jax.jit(kernel)(*tuple(_d.values())))

</pallas_src>

<mosaic_0001>
#map = affine_map<(d0, d1) -> (0, 0)>
#map1 = affine_map<(d0, d1) -> (0)>
module attributes {stable_mosaic.version = 14 : i64} {
  func.func @_sc_body(%arg0: i32, %arg1: i32, %arg2: memref<1024x8192xf32, #tpu.memory_space<hbm>>, %arg3: memref<6144xf32, #tpu.memory_space<hbm>>, %arg4: memref<65536xf32, #tpu.memory_space<vmem>>, %arg5: memref<512xf32, #tpu.memory_space<vmem>>, %arg6: memref<544xi32, #tpu.memory_space<vmem>>, %arg7: memref<208xf32, #tpu.memory_space<vmem>>, %arg8: memref<!tpu.dma_semaphore, #tpu.memory_space<semaphore_mem>>, %arg9: memref<!tpu.dma_semaphore, #tpu.memory_space<semaphore_mem>>, %arg10: memref<!tpu.dma_semaphore, #tpu.memory_space<semaphore_mem>>, %arg11: memref<!tpu.dma_semaphore, #tpu.memory_space<semaphore_mem>>, %arg12: memref<!tpu.dma_semaphore, #tpu.memory_space<semaphore_mem>>, %arg13: memref<!tpu.dma_semaphore, #tpu.memory_space<semaphore_mem>>, %arg14: memref<!tpu.dma_semaphore, #tpu.memory_space<semaphore_mem>>, %arg15: memref<!tpu.dma_semaphore, #tpu.memory_space<semaphore_mem>>) attributes {dimension_semantics = [#tpu.dimension_semantics<core_parallel>, #tpu.dimension_semantics<subcore_parallel>], iteration_bounds = array<i64: 2, 16>, scalar_prefetch = 0 : i64, scratch_operands = 12 : i64, tpu.core_type = #tpu.core_type<sc_vector_subcore>, window_params = [{transform_indices = #map}, {transform_indices = #map1}]} {
    %mul3A = arith.constant 2 : i32
    %mul3A_0 = arith.muli %arg1, %mul3A : i32
    %add3A = arith.addi %mul3A_0, %arg0 : i32
    %mul3A_1 = arith.constant 24 : i32
    %mul3A_2 = arith.muli %add3A, %mul3A_1 : i32
    %add3A_3 = arith.constant 256 : i32
    %add3A_4 = arith.addi %add3A_3, %mul3A_2 : i32
    %iota3A = tpu.iota {dimensions = array<i32: 0>} : vector<16xi32>
    %broadcast_in_dim3A = arith.constant 0xFF800000 : f32
    %broadcast_in_dim3A_5 = vector.broadcast %broadcast_in_dim3A : f32 to vector<16xf32>
    %add3A_6 = arith.constant 0 : i32
    %add3A_7 = arith.addi %add3A_4, %add3A_6 : i32
    %dma_start3A = arith.constant 0 : i32
    %dma_start3A_8 = tpu.memref_slice %arg4[%dma_start3A] : memref<65536xf32, #tpu.memory_space<vmem>> -> memref<8192xf32, #tpu.memory_space<vmem>>
    %dma_start3A_9 = arith.constant 0 : i32
    %dma_start3A_10 = tpu.memref_slice %arg2[%add3A_7, %dma_start3A_9] : memref<1024x8192xf32, #tpu.memory_space<hbm>> -> memref<1x8192xf32, #tpu.memory_space<hbm>>
    %dma_start3A_11 = tpu.memref_squeeze %dma_start3A_10 : memref<1x8192xf32, #tpu.memory_space<hbm>> -> memref<8192xf32, #tpu.memory_space<hbm>>
    %dma_start3A_12 = arith.constant 0 : i32
    %dma_start3A_13 = tpu.memref_slice %arg4[%dma_start3A_12] : memref<65536xf32, #tpu.memory_space<vmem>> -> memref<8192xf32, #tpu.memory_space<vmem>>
    %dma_start3A_14 = arith.constant 0 : i32
    %dma_start3A_15 = tpu.memref_slice %arg2[%add3A_7, %dma_start3A_14] : memref<1024x8192xf32, #tpu.memory_space<hbm>> -> memref<1x8192xf32, #tpu.memory_space<hbm>>
    %dma_start3A_16 = tpu.memref_squeeze %dma_start3A_15 : memref<1x8192xf32, #tpu.memory_space<hbm>> -> memref<8192xf32, #tpu.memory_space<hbm>>
    tpu.enqueue_dma source(%dma_start3A_16 : memref<8192xf32, #tpu.memory_space<hbm>>) target(%dma_start3A_13 : memref<8192xf32, #tpu.memory_space<vmem>>) target_semaphore(%arg8 : memref<!tpu.dma_semaphore, #tpu.memory_space<semaphore_mem>>)
    %add3A_17 = arith.constant 1 : i32
    %add3A_18 = arith.addi %add3A_4, %add3A_17 : i32
    %dma_start3A_19 = arith.constant 8192 : i32
    %dma_start3A_20 = tpu.memref_slice %arg4[%dma_start3A_19] : memref<65536xf32, #tpu.memory_space<vmem>> -> memref<8192xf32, #tpu.memory_space<vmem>>
    %dma_start3A_21 = arith.constant 0 : i32
    %dma_start3A_22 = tpu.memref_slice %arg2[%add3A_18, %dma_start3A_21] : memref<1024x8192xf32, #tpu.memory_space<hbm>> -> memref<1x8192xf32, #tpu.memory_space<hbm>>
    %dma_start3A_23 = tpu.memref_squeeze %dma_start3A_22 : memref<1x8192xf32, #tpu.memory_space<hbm>> -> memref<8192xf32, #tpu.memory_space<hbm>>
    %dma_start3A_24 = arith.constant 8192 : i32
    %dma_start3A_25 = tpu.memref_slice %arg4[%dma_start3A_24] : memref<65536xf32, #tpu.memory_space<vmem>> -> memref<8192xf32, #tpu.memory_space<vmem>>
    %dma_start3A_26 = arith.constant 0 : i32
    %dma_start3A_27 = tpu.memref_slice %arg2[%add3A_18, %dma_start3A_26] : memref<1024x8192xf32, #tpu.memory_space<hbm>> -> memref<1x8192xf32, #tpu.memory_space<hbm>>
    %dma_start3A_28 = tpu.memref_squeeze %dma_start3A_27 : memref<1x8192xf32, #tpu.memory_space<hbm>> -> memref<8192xf32, #tpu.memory_space<hbm>>
    tpu.enqueue_dma source(%dma_start3A_28 : memref<8192xf32, #tpu.memory_space<hbm>>) target(%dma_start3A_25 : memref<8192xf32, #tpu.memory_space<vmem>>) target_semaphore(%arg9 : memref<!tpu.dma_semaphore, #tpu.memory_space<semaphore_mem>>)
    %add3A_29 = arith.constant 2 : i32
    %add3A_30 = arith.addi %add3A_4, %add3A_29 : i32
    %dma_start3A_31 = arith.constant 16384 : i32
    %dma_start3A_32 = tpu.memref_slice %arg4[%dma_start3A_31] : memref<65536xf32, #tpu.memory_space<vmem>> -> memref<8192xf32, #tpu.memory_space<vmem>>
    %dma_start3A_33 = arith.constant 0 : i32
    %dma_start3A_34 = tpu.memref_slice %arg2[%add3A_30, %dma_start3A_33] : memref<1024x8192xf32, #tpu.memory_space<hbm>> -> memref<1x8192xf32, #tpu.memory_space<hbm>>
    %dma_start3A_35 = tpu.memref_squeeze %dma_start3A_34 : memref<1x8192xf32, #tpu.memory_space<hbm>> -> memref<8192xf32, #tpu.memory_space<hbm>>
    %dma_start3A_36 = arith.constant 16384 : i32
    %dma_start3A_37 = tpu.memref_slice %arg4[%dma_start3A_36] : memref<65536xf32, #tpu.memory_space<vmem>> -> memref<8192xf32, #tpu.memory_space<vmem>>
    %dma_start3A_38 = arith.constant 0 : i32
    %dma_start3A_39 = tpu.memref_slice %arg2[%add3A_30, %dma_start3A_38] : memref<1024x8192xf32, #tpu.memory_space<hbm>> -> memref<1x8192xf32, #tpu.memory_space<hbm>>
    %dma_start3A_40 = tpu.memref_squeeze %dma_start3A_39 : memref<1x8192xf32, #tpu.memory_space<hbm>> -> memref<8192xf32, #tpu.memory_space<hbm>>
    tpu.enqueue_dma source(%dma_start3A_40 : memref<8192xf32, #tpu.memory_space<hbm>>) target(%dma_start3A_37 : memref<8192xf32, #tpu.memory_space<vmem>>) target_semaphore(%arg10 : memref<!tpu.dma_semaphore, #tpu.memory_space<semaphore_mem>>)
    %add3A_41 = arith.constant 3 : i32
    %add3A_42 = arith.addi %add3A_4, %add3A_41 : i32
    %dma_start3A_43 = arith.constant 24576 : i32
    %dma_start3A_44 = tpu.memref_slice %arg4[%dma_start3A_43] : memref<65536xf32, #tpu.memory_space<vmem>> -> memref<8192xf32, #tpu.memory_space<vmem>>
    %dma_start3A_45 = arith.constant 0 : i32
    %dma_start3A_46 = tpu.memref_slice %arg2[%add3A_42, %dma_start3A_45] : memref<1024x8192xf32, #tpu.memory_space<hbm>> -> memref<1x8192xf32, #tpu.memory_space<hbm>>
    %dma_start3A_47 = tpu.memref_squeeze %dma_start3A_46 : memref<1x8192xf32, #tpu.memory_space<hbm>> -> memref<8192xf32, #tpu.memory_space<hbm>>
    %dma_start3A_48 = arith.constant 24576 : i32
    %dma_start3A_49 = tpu.memref_slice %arg4[%dma_start3A_48] : memref<65536xf32, #tpu.memory_space<vmem>> -> memref<8192xf32, #tpu.memory_space<vmem>>
    %dma_start3A_50 = arith.constant 0 : i32
    %dma_start3A_51 = tpu.memref_slice %arg2[%add3A_42, %dma_start3A_50] : memref<1024x8192xf32, #tpu.memory_space<hbm>> -> memref<1x8192xf32, #tpu.memory_space<hbm>>
    %dma_start3A_52 = tpu.memref_squeeze %dma_start3A_51 : memref<1x8192xf32, #tpu.memory_space<hbm>> -> memref<8192xf32, #tpu.memory_space<hbm>>
    tpu.enqueue_dma source(%dma_start3A_52 : memref<8192xf32, #tpu.memory_space<hbm>>) target(%dma_start3A_49 : memref<8192xf32, #tpu.memory_space<vmem>>) target_semaphore(%arg11 : memref<!tpu.dma_semaphore, #tpu.memory_space<semaphore_mem>>)
    %add3A_53 = arith.constant 4 : i32
    %add3A_54 = arith.addi %add3A_4, %add3A_53 : i32
    %dma_start3A_55 = arith.constant 32768 : i32
    %dma_start3A_56 = tpu.memref_slice %arg4[%dma_start3A_55] : memref<65536xf32, #tpu.memory_space<vmem>> -> memref<8192xf32, #tpu.memory_space<vmem>>
    %dma_start3A_57 = arith.constant 0 : i32
    %dma_start3A_58 = tpu.memref_slice %arg2[%add3A_54, %dma_start3A_57] : memref<1024x8192xf32, #tpu.memory_space<hbm>> -> memref<1x8192xf32, #tpu.memory_space<hbm>>
    %dma_start3A_59 = tpu.memref_squeeze %dma_start3A_58 : memref<1x8192xf32, #tpu.memory_space<hbm>> -> memref<8192xf32, #tpu.memory_space<hbm>>
    %dma_start3A_60 = arith.constant 32768 : i32
    %dma_start3A_61 = tpu.memref_slice %arg4[%dma_start3A_60] : memref<65536xf32, #tpu.memory_space<vmem>> -> memref<8192xf32, #tpu.memory_space<vmem>>
    %dma_start3A_62 = arith.constant 0 : i32
    %dma_start3A_63 = tpu.memref_slice %arg2[%add3A_54, %dma_start3A_62] : memref<1024x8192xf32, #tpu.memory_space<hbm>> -> memref<1x8192xf32, #tpu.memory_space<hbm>>
    %dma_start3A_64 = tpu.memref_squeeze %dma_start3A_63 : memref<1x8192xf32, #tpu.memory_space<hbm>> -> memref<8192xf32, #tpu.memory_space<hbm>>
    tpu.enqueue_dma source(%dma_start3A_64 : memref<8192xf32, #tpu.memory_space<hbm>>) target(%dma_start3A_61 : memref<8192xf32, #tpu.memory_space<vmem>>) target_semaphore(%arg12 : memref<!tpu.dma_semaphore, #tpu.memory_space<semaphore_mem>>)
    %add3A_65 = arith.constant 5 : i32
    %add3A_66 = arith.addi %add3A_4, %add3A_65 : i32
    %dma_start3A_67 = arith.constant 40960 : i32
    %dma_start3A_68 = tpu.memref_slice %arg4[%dma_start3A_67] : memref<65536xf32, #tpu.memory_space<vmem>> -> memref<8192xf32, #tpu.memory_space<vmem>>
    %dma_start3A_69 = arith.constant 0 : i32
    %dma_start3A_70 = tpu.memref_slice %arg2[%add3A_66, %dma_start3A_69] : memref<1024x8192xf32, #tpu.memory_space<hbm>> -> memref<1x8192xf32, #tpu.memory_space<hbm>>
    %dma_start3A_71 = tpu.memref_squeeze %dma_start3A_70 : memref<1x8192xf32, #tpu.memory_space<hbm>> -> memref<8192xf32, #tpu.memory_space<hbm>>
    %dma_start3A_72 = arith.constant 40960 : i32
    %dma_start3A_73 = tpu.memref_slice %arg4[%dma_start3A_72] : memref<65536xf32, #tpu.memory_space<vmem>> -> memref<8192xf32, #tpu.memory_space<vmem>>
    %dma_start3A_74 = arith.constant 0 : i32
    %dma_start3A_75 = tpu.memref_slice %arg2[%add3A_66, %dma_start3A_74] : memref<1024x8192xf32, #tpu.memory_space<hbm>> -> memref<1x8192xf32, #tpu.memory_space<hbm>>
    %dma_start3A_76 = tpu.memref_squeeze %dma_start3A_75 : memref<1x8192xf32, #tpu.memory_space<hbm>> -> memref<8192xf32, #tpu.memory_space<hbm>>
    tpu.enqueue_dma source(%dma_start3A_76 : memref<8192xf32, #tpu.memory_space<hbm>>) target(%dma_start3A_73 : memref<8192xf32, #tpu.memory_space<vmem>>) target_semaphore(%arg13 : memref<!tpu.dma_semaphore, #tpu.memory_space<semaphore_mem>>)
    %add3A_77 = arith.constant 6 : i32
    %add3A_78 = arith.addi %add3A_4, %add3A_77 : i32
    %dma_start3A_79 = arith.constant 49152 : i32
    %dma_start3A_80 = tpu.memref_slice %arg4[%dma_start3A_79] : memref<65536xf32, #tpu.memory_space<vmem>> -> memref<8192xf32, #tpu.memory_space<vmem>>
    %dma_start3A_81 = arith.constant 0 : i32
    %dma_start3A_82 = tpu.memref_slice %arg2[%add3A_78, %dma_start3A_81] : memref<1024x8192xf32, #tpu.memory_space<hbm>> -> memref<1x8192xf32, #tpu.memory_space<hbm>>
    %dma_start3A_83 = tpu.memref_squeeze %dma_start3A_82 : memref<1x8192xf32, #tpu.memory_space<hbm>> -> memref<8192xf32, #tpu.memory_space<hbm>>
    %dma_start3A_84 = arith.constant 49152 : i32
    %dma_start3A_85 = tpu.memref_slice %arg4[%dma_start3A_84] : memref<65536xf32, #tpu.memory_space<vmem>> -> memref<8192xf32, #tpu.memory_space<vmem>>
    %dma_start3A_86 = arith.constant 0 : i32
    %dma_start3A_87 = tpu.memref_slice %arg2[%add3A_78, %dma_start3A_86] : memref<1024x8192xf32, #tpu.memory_space<hbm>> -> memref<1x8192xf32, #tpu.memory_space<hbm>>
    %dma_start3A_88 = tpu.memref_squeeze %dma_start3A_87 : memref<1x8192xf32, #tpu.memory_space<hbm>> -> memref<8192xf32, #tpu.memory_space<hbm>>
    tpu.enqueue_dma source(%dma_start3A_88 : memref<8192xf32, #tpu.memory_space<hbm>>) target(%dma_start3A_85 : memref<8192xf32, #tpu.memory_space<vmem>>) target_semaphore(%arg14 : memref<!tpu.dma_semaphore, #tpu.memory_space<semaphore_mem>>)
    %scan3A = arith.constant 0 : i32
    %scan3A_89 = arith.constant 0 : i32
    %scan3A_90 = arith.constant 24 : i32
    %scan3A_91 = arith.addi %scan3A_89, %scan3A_90 : i32
    %scan3A_92 = arith.constant 1 : i32
    scf.for %scan3A_98 = %scan3A_89 to %scan3A_91 step %scan3A_92  : i32 {
      %rem3A = arith.constant 8 : i32
      %rem3A_99 = arith.remsi %scan3A_98, %rem3A : i32
      %lt3A = arith.constant 17 : i32
      %lt3A_100 = arith.cmpi slt, %scan3A_98, %lt3A : i32
      %convert_element_type3A = arith.extui %lt3A_100 : i1 to i32
      %cond3A = arith.constant 0 : i32
      %cond3A_101 = arith.cmpi ne, %convert_element_type3A, %cond3A : i32
      scf.if %cond3A_101 {
        %add3A_674 = arith.addi %add3A_4, %scan3A_98 : i32
        %add3A_675 = arith.constant 7 : i32
        %add3A_676 = arith.addi %add3A_674, %add3A_675 : i32
        %add3A_677 = arith.constant 7 : i32
        %add3A_678 = arith.addi %scan3A_98, %add3A_677 : i32
        %rem3A_679 = arith.constant 8 : i32
        %rem3A_680 = arith.remsi %add3A_678, %rem3A_679 : i32
        %eq3A_681 = arith.constant 0 : i32
        %eq3A_682 = arith.cmpi eq, %rem3A_680, %eq3A_681 : i32
        %convert_element_type3A_683 = arith.extui %eq3A_682 : i1 to i32
        %cond3A_684 = arith.constant 0 : i32
        %cond3A_685 = arith.cmpi ne, %convert_element_type3A_683, %cond3A_684 : i32
        scf.if %cond3A_685 {
          %dma_start3A_721 = arith.constant 0 : i32
          %dma_start3A_722 = tpu.memref_slice %arg4[%dma_start3A_721] : memref<65536xf32, #tpu.memory_space<vmem>> -> memref<8192xf32, #tpu.memory_space<vmem>>
          %dma_start3A_723 = arith.constant 0 : i32
          %dma_start3A_724 = tpu.memref_slice %arg2[%add3A_676, %dma_start3A_723] : memref<1024x8192xf32, #tpu.memory_space<hbm>> -> memref<1x8192xf32, #tpu.memory_space<hbm>>
          %dma_start3A_725 = tpu.memref_squeeze %dma_start3A_724 : memref<1x8192xf32, #tpu.memory_space<hbm>> -> memref<8192xf32, #tpu.memory_space<hbm>>
          %dma_start3A_726 = arith.constant 0 : i32
          %dma_start3A_727 = tpu.memref_slice %arg4[%dma_start3A_726] : memref<65536xf32, #tpu.memory_space<vmem>> -> memref<8192xf32, #tpu.memory_space<vmem>>
          %dma_start3A_728 = arith.constant 0 : i32
          %dma_start3A_729 = tpu.memref_slice %arg2[%add3A_676, %dma_start3A_728] : memref<1024x8192xf32, #tpu.memory_space<hbm>> -> memref<1x8192xf32, #tpu.memory_space<hbm>>
          %dma_start3A_730 = tpu.memref_squeeze %dma_start3A_729 : memref<1x8192xf32, #tpu.memory_space<hbm>> -> memref<8192xf32, #tpu.memory_space<hbm>>
          tpu.enqueue_dma source(%dma_start3A_730 : memref<8192xf32, #tpu.memory_space<hbm>>) target(%dma_start3A_727 : memref<8192xf32, #tpu.memory_space<vmem>>) target_semaphore(%arg8 : memref<!tpu.dma_semaphore, #tpu.memory_space<semaphore_mem>>)
        } else {
        }
        %eq3A_686 = arith.constant 1 : i32
        %eq3A_687 = arith.cmpi eq, %rem3A_680, %eq3A_686 : i32
        %convert_element_type3A_688 = arith.extui %eq3A_687 : i1 to i32
        %cond3A_689 = arith.constant 0 : i32
        %cond3A_690 = arith.cmpi ne, %convert_element_type3A_688, %cond3A_689 : i32
        scf.if %cond3A_690 {
          %dma_start3A_721 = arith.constant 8192 : i32
          %dma_start3A_722 = tpu.memref_slice %arg4[%dma_start3A_721] : memref<65536xf32, #tpu.memory_space<vmem>> -> memref<8192xf32, #tpu.memory_space<vmem>>
          %dma_start3A_723 = arith.constant 0 : i32
          %dma_start3A_724 = tpu.memref_slice %arg2[%add3A_676, %dma_start3A_723] : memref<1024x8192xf32, #tpu.memory_space<hbm>> -> memref<1x8192xf32, #tpu.memory_space<hbm>>
          %dma_start3A_725 = tpu.memref_squeeze %dma_start3A_724 : memref<1x8192xf32, #tpu.memory_space<hbm>> -> memref<8192xf32, #tpu.memory_space<hbm>>
          %dma_start3A_726 = arith.constant 8192 : i32
          %dma_start3A_727 = tpu.memref_slice %arg4[%dma_start3A_726] : memref<65536xf32, #tpu.memory_space<vmem>> -> memref<8192xf32, #tpu.memory_space<vmem>>
          %dma_start3A_728 = arith.constant 0 : i32
          %dma_start3A_729 = tpu.memref_slice %arg2[%add3A_676, %dma_start3A_728] : memref<1024x8192xf32, #tpu.memory_space<hbm>> -> memref<1x8192xf32, #tpu.memory_space<hbm>>
          %dma_start3A_730 = tpu.memref_squeeze %dma_start3A_729 : memref<1x8192xf32, #tpu.memory_space<hbm>> -> memref<8192xf32, #tpu.memory_space<hbm>>
          tpu.enqueue_dma source(%dma_start3A_730 : memref<8192xf32, #tpu.memory_space<hbm>>) target(%dma_start3A_727 : memref<8192xf32, #tpu.memory_space<vmem>>) target_semaphore(%arg9 : memref<!tpu.dma_semaphore, #tpu.memory_space<semaphore_mem>>)
        } else {
        }
        %eq3A_691 = arith.constant 2 : i32
        %eq3A_692 = arith.cmpi eq, %rem3A_680, %eq3A_691 : i32
        %convert_element_type3A_693 = arith.extui %eq3A_692 : i1 to i32
        %cond3A_694 = arith.constant 0 : i32
        %cond3A_695 = arith.cmpi ne, %convert_element_type3A_693, %cond3A_694 : i32
        scf.if %cond3A_695 {
          %dma_start3A_721 = arith.constant 16384 : i32
          %dma_start3A_722 = tpu.memref_slice %arg4[%dma_start3A_721] : memref<65536xf32, #tpu.memory_space<vmem>> -> memref<8192xf32, #tpu.memory_space<vmem>>
          %dma_start3A_723 = arith.constant 0 : i32
          %dma_start3A_724 = tpu.memref_slice %arg2[%add3A_676, %dma_start3A_723] : memref<1024x8192xf32, #tpu.memory_space<hbm>> -> memref<1x8192xf32, #tpu.memory_space<hbm>>
          %dma_start3A_725 = tpu.memref_squeeze %dma_start3A_724 : memref<1x8192xf32, #tpu.memory_space<hbm>> -> memref<8192xf32, #tpu.memory_space<hbm>>
          %dma_start3A_726 = arith.constant 16384 : i32
          %dma_start3A_727 = tpu.memref_slice %arg4[%dma_start3A_726] : memref<65536xf32, #tpu.memory_space<vmem>> -> memref<8192xf32, #tpu.memory_space<vmem>>
          %dma_start3A_728 = arith.constant 0 : i32
          %dma_start3A_729 = tpu.memref_slice %arg2[%add3A_676, %dma_start3A_728] : memref<1024x8192xf32, #tpu.memory_space<hbm>> -> memref<1x8192xf32, #tpu.memory_space<hbm>>
          %dma_start3A_730 = tpu.memref_squeeze %dma_start3A_729 : memref<1x8192xf32, #tpu.memory_space<hbm>> -> memref<8192xf32, #tpu.memory_space<hbm>>
          tpu.enqueue_dma source(%dma_start3A_730 : memref<8192xf32, #tpu.memory_space<hbm>>) target(%dma_start3A_727 : memref<8192xf32, #tpu.memory_space<vmem>>) target_semaphore(%arg10 : memref<!tpu.dma_semaphore, #tpu.memory_space<semaphore_mem>>)
        } else {
        }
        %eq3A_696 = arith.constant 3 : i32
        %eq3A_697 = arith.cmpi eq, %rem3A_680, %eq3A_696 : i32
        %convert_element_type3A_698 = arith.extui %eq3A_697 : i1 to i32
        %cond3A_699 = arith.constant 0 : i32
        %cond3A_700 = arith.cmpi ne, %convert_element_type3A_698, %cond3A_699 : i32
        scf.if %cond3A_700 {
          %dma_start3A_721 = arith.constant 24576 : i32
          %dma_start3A_722 = tpu.memref_slice %arg4[%dma_start3A_721] : memref<65536xf32, #tpu.memory_space<vmem>> -> memref<8192xf32, #tpu.memory_space<vmem>>
          %dma_start3A_723 = arith.constant 0 : i32
          %dma_start3A_724 = tpu.memref_slice %arg2[%add3A_676, %dma_start3A_723] : memref<1024x8192xf32, #tpu.memory_space<hbm>> -> memref<1x8192xf32, #tpu.memory_space<hbm>>
          %dma_start3A_725 = tpu.memref_squeeze %dma_start3A_724 : memref<1x8192xf32, #tpu.memory_space<hbm>> -> memref<8192xf32, #tpu.memory_space<hbm>>
          %dma_start3A_726 = arith.constant 24576 : i32
          %dma_start3A_727 = tpu.memref_slice %arg4[%dma_start3A_726] : memref<65536xf32, #tpu.memory_space<vmem>> -> memref<8192xf32, #tpu.memory_space<vmem>>
          %dma_start3A_728 = arith.constant 0 : i32
          %dma_start3A_729 = tpu.memref_slice %arg2[%add3A_676, %dma_start3A_728] : memref<1024x8192xf32, #tpu.memory_space<hbm>> -> memref<1x8192xf32, #tpu.memory_space<hbm>>
          %dma_start3A_730 = tpu.memref_squeeze %dma_start3A_729 : memref<1x8192xf32, #tpu.memory_space<hbm>> -> memref<8192xf32, #tpu.memory_space<hbm>>
          tpu.enqueue_dma source(%dma_start3A_730 : memref<8192xf32, #tpu.memory_space<hbm>>) target(%dma_start3A_727 : memref<8192xf32, #tpu.memory_space<vmem>>) target_semaphore(%arg11 : memref<!tpu.dma_semaphore, #tpu.memory_space<semaphore_mem>>)
        } else {
        }
        %eq3A_701 = arith.constant 4 : i32
        %eq3A_702 = arith.cmpi eq, %rem3A_680, %eq3A_701 : i32
        %convert_element_type3A_703 = arith.extui %eq3A_702 : i1 to i32
        %cond3A_704 = arith.constant 0 : i32
        %cond3A_705 = arith.cmpi ne, %convert_element_type3A_703, %cond3A_704 : i32
        scf.if %cond3A_705 {
          %dma_start3A_721 = arith.constant 32768 : i32
          %dma_start3A_722 = tpu.memref_slice %arg4[%dma_start3A_721] : memref<65536xf32, #tpu.memory_space<vmem>> -> memref<8192xf32, #tpu.memory_space<vmem>>
          %dma_start3A_723 = arith.constant 0 : i32
          %dma_start3A_724 = tpu.memref_slice %arg2[%add3A_676, %dma_start3A_723] : memref<1024x8192xf32, #tpu.memory_space<hbm>> -> memref<1x8192xf32, #tpu.memory_space<hbm>>
          %dma_start3A_725 = tpu.memref_squeeze %dma_start3A_724 : memref<1x8192xf32, #tpu.memory_space<hbm>> -> memref<8192xf32, #tpu.memory_space<hbm>>
          %dma_start3A_726 = arith.constant 32768 : i32
          %dma_start3A_727 = tpu.memref_slice %arg4[%dma_start3A_726] : memref<65536xf32, #tpu.memory_space<vmem>> -> memref<8192xf32, #tpu.memory_space<vmem>>
          %dma_start3A_728 = arith.constant 0 : i32
          %dma_start3A_729 = tpu.memref_slice %arg2[%add3A_676, %dma_start3A_728] : memref<1024x8192xf32, #tpu.memory_space<hbm>> -> memref<1x8192xf32, #tpu.memory_space<hbm>>
          %dma_start3A_730 = tpu.memref_squeeze %dma_start3A_729 : memref<1x8192xf32, #tpu.memory_space<hbm>> -> memref<8192xf32, #tpu.memory_space<hbm>>
          tpu.enqueue_dma source(%dma_start3A_730 : memref<8192xf32, #tpu.memory_space<hbm>>) target(%dma_start3A_727 : memref<8192xf32, #tpu.memory_space<vmem>>) target_semaphore(%arg12 : memref<!tpu.dma_semaphore, #tpu.memory_space<semaphore_mem>>)
        } else {
        }
        %eq3A_706 = arith.constant 5 : i32
        %eq3A_707 = arith.cmpi eq, %rem3A_680, %eq3A_706 : i32
        %convert_element_type3A_708 = arith.extui %eq3A_707 : i1 to i32
        %cond3A_709 = arith.constant 0 : i32
        %cond3A_710 = arith.cmpi ne, %convert_element_type3A_708, %cond3A_709 : i32
        scf.if %cond3A_710 {
          %dma_start3A_721 = arith.constant 40960 : i32
          %dma_start3A_722 = tpu.memref_slice %arg4[%dma_start3A_721] : memref<65536xf32, #tpu.memory_space<vmem>> -> memref<8192xf32, #tpu.memory_space<vmem>>
          %dma_start3A_723 = arith.constant 0 : i32
          %dma_start3A_724 = tpu.memref_slice %arg2[%add3A_676, %dma_start3A_723] : memref<1024x8192xf32, #tpu.memory_space<hbm>> -> memref<1x8192xf32, #tpu.memory_space<hbm>>
          %dma_start3A_725 = tpu.memref_squeeze %dma_start3A_724 : memref<1x8192xf32, #tpu.memory_space<hbm>> -> memref<8192xf32, #tpu.memory_space<hbm>>
          %dma_start3A_726 = arith.constant 40960 : i32
          %dma_start3A_727 = tpu.memref_slice %arg4[%dma_start3A_726] : memref<65536xf32, #tpu.memory_space<vmem>> -> memref<8192xf32, #tpu.memory_space<vmem>>
          %dma_start3A_728 = arith.constant 0 : i32
          %dma_start3A_729 = tpu.memref_slice %arg2[%add3A_676, %dma_start3A_728] : memref<1024x8192xf32, #tpu.memory_space<hbm>> -> memref<1x8192xf32, #tpu.memory_space<hbm>>
          %dma_start3A_730 = tpu.memref_squeeze %dma_start3A_729 : memref<1x8192xf32, #tpu.memory_space<hbm>> -> memref<8192xf32, #tpu.memory_space<hbm>>
          tpu.enqueue_dma source(%dma_start3A_730 : memref<8192xf32, #tpu.memory_space<hbm>>) target(%dma_start3A_727 : memref<8192xf32, #tpu.memory_space<vmem>>) target_semaphore(%arg13 : memref<!tpu.dma_semaphore, #tpu.memory_space<semaphore_mem>>)
        } else {
        }
        %eq3A_711 = arith.constant 6 : i32
        %eq3A_712 = arith.cmpi eq, %rem3A_680, %eq3A_711 : i32
        %convert_element_type3A_713 = arith.extui %eq3A_712 : i1 to i32
        %cond3A_714 = arith.constant 0 : i32
        %cond3A_715 = arith.cmpi ne, %convert_element_type3A_713, %cond3A_714 : i32
        scf.if %cond3A_715 {
          %dma_start3A_721 = arith.constant 49152 : i32
          %dma_start3A_722 = tpu.memref_slice %arg4[%dma_start3A_721] : memref<65536xf32, #tpu.memory_space<vmem>> -> memref<8192xf32, #tpu.memory_space<vmem>>
          %dma_start3A_723 = arith.constant 0 : i32
          %dma_start3A_724 = tpu.memref_slice %arg2[%add3A_676, %dma_start3A_723] : memref<1024x8192xf32, #tpu.memory_space<hbm>> -> memref<1x8192xf32, #tpu.memory_space<hbm>>
          %dma_start3A_725 = tpu.memref_squeeze %dma_start3A_724 : memref<1x8192xf32, #tpu.memory_space<hbm>> -> memref<8192xf32, #tpu.memory_space<hbm>>
          %dma_start3A_726 = arith.constant 49152 : i32
          %dma_start3A_727 = tpu.memref_slice %arg4[%dma_start3A_726] : memref<65536xf32, #tpu.memory_space<vmem>> -> memref<8192xf32, #tpu.memory_space<vmem>>
          %dma_start3A_728 = arith.constant 0 : i32
          %dma_start3A_729 = tpu.memref_slice %arg2[%add3A_676, %dma_start3A_728] : memref<1024x8192xf32, #tpu.memory_space<hbm>> -> memref<1x8192xf32, #tpu.memory_space<hbm>>
          %dma_start3A_730 = tpu.memref_squeeze %dma_start3A_729 : memref<1x8192xf32, #tpu.memory_space<hbm>> -> memref<8192xf32, #tpu.memory_space<hbm>>
          tpu.enqueue_dma source(%dma_start3A_730 : memref<8192xf32, #tpu.memory_space<hbm>>) target(%dma_start3A_727 : memref<8192xf32, #tpu.memory_space<vmem>>) target_semaphore(%arg14 : memref<!tpu.dma_semaphore, #tpu.memory_space<semaphore_mem>>)
        } else {
        }
        %eq3A_716 = arith.constant 7 : i32
        %eq3A_717 = arith.cmpi eq, %rem3A_680, %eq3A_716 : i32
        %convert_element_type3A_718 = arith.extui %eq3A_717 : i1 to i32
        %cond3A_719 = arith.constant 0 : i32
        %cond3A_720 = arith.cmpi ne, %convert_element_type3A_718, %cond3A_719 : i32
        scf.if %cond3A_720 {
          %dma_start3A_721 = arith.constant 57344 : i32
          %dma_start3A_722 = tpu.memref_slice %arg4[%dma_start3A_721] : memref<65536xf32, #tpu.memory_space<vmem>> -> memref<8192xf32, #tpu.memory_space<vmem>>
          %dma_start3A_723 = arith.constant 0 : i32
          %dma_start3A_724 = tpu.memref_slice %arg2[%add3A_676, %dma_start3A_723] : memref<1024x8192xf32, #tpu.memory_space<hbm>> -> memref<1x8192xf32, #tpu.memory_space<hbm>>
          %dma_start3A_725 = tpu.memref_squeeze %dma_start3A_724 : memref<1x8192xf32, #tpu.memory_space<hbm>> -> memref<8192xf32, #tpu.memory_space<hbm>>
          %dma_start3A_726 = arith.constant 57344 : i32
          %dma_start3A_727 = tpu.memref_slice %arg4[%dma_start3A_726] : memref<65536xf32, #tpu.memory_space<vmem>> -> memref<8192xf32, #tpu.memory_space<vmem>>
          %dma_start3A_728 = arith.constant 0 : i32
          %dma_start3A_729 = tpu.memref_slice %arg2[%add3A_676, %dma_start3A_728] : memref<1024x8192xf32, #tpu.memory_space<hbm>> -> memref<1x8192xf32, #tpu.memory_space<hbm>>
          %dma_start3A_730 = tpu.memref_squeeze %dma_start3A_729 : memref<1x8192xf32, #tpu.memory_space<hbm>> -> memref<8192xf32, #tpu.memory_space<hbm>>
          tpu.enqueue_dma source(%dma_start3A_730 : memref<8192xf32, #tpu.memory_space<hbm>>) target(%dma_start3A_727 : memref<8192xf32, #tpu.memory_space<vmem>>) target_semaphore(%arg15 : memref<!tpu.dma_semaphore, #tpu.memory_space<semaphore_mem>>)
        } else {
        }
      } else {
      }
      %eq3A = arith.constant 0 : i32
      %eq3A_102 = arith.cmpi eq, %rem3A_99, %eq3A : i32
      %convert_element_type3A_103 = arith.extui %eq3A_102 : i1 to i32
      %cond3A_104 = arith.constant 0 : i32
      %cond3A_105 = arith.cmpi ne, %convert_element_type3A_103, %cond3A_104 : i32
      scf.if %cond3A_105 {
        %dma_wait3A = arith.constant 0 : i32
        %dma_wait3A_674 = tpu.memref_slice %arg4[%dma_wait3A] : memref<65536xf32, #tpu.memory_space<vmem>> -> memref<8192xf32, #tpu.memory_space<vmem>>
        %dma_wait3A_675 = arith.constant 0 : i32
        %dma_wait3A_676 = tpu.memref_slice %arg2[%add3A_4, %dma_wait3A_675] : memref<1024x8192xf32, #tpu.memory_space<hbm>> -> memref<1x8192xf32, #tpu.memory_space<hbm>>
        %dma_wait3A_677 = tpu.memref_squeeze %dma_wait3A_676 : memref<1x8192xf32, #tpu.memory_space<hbm>> -> memref<8192xf32, #tpu.memory_space<hbm>>
        %dma_wait3A_678 = arith.constant 0 : i32
        %dma_wait3A_679 = tpu.memref_slice %arg4[%dma_wait3A_678] : memref<65536xf32, #tpu.memory_space<vmem>> -> memref<8192xf32, #tpu.memory_space<vmem>>
        %dma_wait3A_680 = arith.constant 0 : i32
        %dma_wait3A_681 = tpu.memref_slice %arg2[%add3A_4, %dma_wait3A_680] : memref<1024x8192xf32, #tpu.memory_space<hbm>> -> memref<1x8192xf32, #tpu.memory_space<hbm>>
        %dma_wait3A_682 = tpu.memref_squeeze %dma_wait3A_681 : memref<1x8192xf32, #tpu.memory_space<hbm>> -> memref<8192xf32, #tpu.memory_space<hbm>>
        tpu.wait_dma2 semaphore(%arg8 : memref<!tpu.dma_semaphore, #tpu.memory_space<semaphore_mem>>) src(%dma_wait3A_682 : memref<8192xf32, #tpu.memory_space<hbm>>) dst(%dma_wait3A_679 : memref<8192xf32, #tpu.memory_space<vmem>>)
      } else {
      }
      %eq3A_106 = arith.constant 1 : i32
      %eq3A_107 = arith.cmpi eq, %rem3A_99, %eq3A_106 : i32
      %convert_element_type3A_108 = arith.extui %eq3A_107 : i1 to i32
      %cond3A_109 = arith.constant 0 : i32
      %cond3A_110 = arith.cmpi ne, %convert_element_type3A_108, %cond3A_109 : i32
      scf.if %cond3A_110 {
        %dma_wait3A = arith.constant 8192 : i32
        %dma_wait3A_674 = tpu.memref_slice %arg4[%dma_wait3A] : memref<65536xf32, #tpu.memory_space<vmem>> -> memref<8192xf32, #tpu.memory_space<vmem>>
        %dma_wait3A_675 = arith.constant 0 : i32
        %dma_wait3A_676 = tpu.memref_slice %arg2[%add3A_4, %dma_wait3A_675] : memref<1024x8192xf32, #tpu.memory_space<hbm>> -> memref<1x8192xf32, #tpu.memory_space<hbm>>
        %dma_wait3A_677 = tpu.memref_squeeze %dma_wait3A_676 : memref<1x8192xf32, #tpu.memory_space<hbm>> -> memref<8192xf32, #tpu.memory_space<hbm>>
        %dma_wait3A_678 = arith.constant 8192 : i32
        %dma_wait3A_679 = tpu.memref_slice %arg4[%dma_wait3A_678] : memref<65536xf32, #tpu.memory_space<vmem>> -> memref<8192xf32, #tpu.memory_space<vmem>>
        %dma_wait3A_680 = arith.constant 0 : i32
        %dma_wait3A_681 = tpu.memref_slice %arg2[%add3A_4, %dma_wait3A_680] : memref<1024x8192xf32, #tpu.memory_space<hbm>> -> memref<1x8192xf32, #tpu.memory_space<hbm>>
        %dma_wait3A_682 = tpu.memref_squeeze %dma_wait3A_681 : memref<1x8192xf32, #tpu.memory_space<hbm>> -> memref<8192xf32, #tpu.memory_space<hbm>>
        tpu.wait_dma2 semaphore(%arg9 : memref<!tpu.dma_semaphore, #tpu.memory_space<semaphore_mem>>) src(%dma_wait3A_682 : memref<8192xf32, #tpu.memory_space<hbm>>) dst(%dma_wait3A_679 : memref<8192xf32, #tpu.memory_space<vmem>>)
      } else {
      }
      %eq3A_111 = arith.constant 2 : i32
      %eq3A_112 = arith.cmpi eq, %rem3A_99, %eq3A_111 : i32
      %convert_element_type3A_113 = arith.extui %eq3A_112 : i1 to i32
      %cond3A_114 = arith.constant 0 : i32
      %cond3A_115 = arith.cmpi ne, %convert_element_type3A_113, %cond3A_114 : i32
      scf.if %cond3A_115 {
        %dma_wait3A = arith.constant 16384 : i32
        %dma_wait3A_674 = tpu.memref_slice %arg4[%dma_wait3A] : memref<65536xf32, #tpu.memory_space<vmem>> -> memref<8192xf32, #tpu.memory_space<vmem>>
        %dma_wait3A_675 = arith.constant 0 : i32
        %dma_wait3A_676 = tpu.memref_slice %arg2[%add3A_4, %dma_wait3A_675] : memref<1024x8192xf32, #tpu.memory_space<hbm>> -> memref<1x8192xf32, #tpu.memory_space<hbm>>
        %dma_wait3A_677 = tpu.memref_squeeze %dma_wait3A_676 : memref<1x8192xf32, #tpu.memory_space<hbm>> -> memref<8192xf32, #tpu.memory_space<hbm>>
        %dma_wait3A_678 = arith.constant 16384 : i32
        %dma_wait3A_679 = tpu.memref_slice %arg4[%dma_wait3A_678] : memref<65536xf32, #tpu.memory_space<vmem>> -> memref<8192xf32, #tpu.memory_space<vmem>>
        %dma_wait3A_680 = arith.constant 0 : i32
        %dma_wait3A_681 = tpu.memref_slice %arg2[%add3A_4, %dma_wait3A_680] : memref<1024x8192xf32, #tpu.memory_space<hbm>> -> memref<1x8192xf32, #tpu.memory_space<hbm>>
        %dma_wait3A_682 = tpu.memref_squeeze %dma_wait3A_681 : memref<1x8192xf32, #tpu.memory_space<hbm>> -> memref<8192xf32, #tpu.memory_space<hbm>>
        tpu.wait_dma2 semaphore(%arg10 : memref<!tpu.dma_semaphore, #tpu.memory_space<semaphore_mem>>) src(%dma_wait3A_682 : memref<8192xf32, #tpu.memory_space<hbm>>) dst(%dma_wait3A_679 : memref<8192xf32, #tpu.memory_space<vmem>>)
      } else {
      }
      %eq3A_116 = arith.constant 3 : i32
      %eq3A_117 = arith.cmpi eq, %rem3A_99, %eq3A_116 : i32
      %convert_element_type3A_118 = arith.extui %eq3A_117 : i1 to i32
      %cond3A_119 = arith.constant 0 : i32
      %cond3A_120 = arith.cmpi ne, %convert_element_type3A_118, %cond3A_119 : i32
      scf.if %cond3A_120 {
        %dma_wait3A = arith.constant 24576 : i32
        %dma_wait3A_674 = tpu.memref_slice %arg4[%dma_wait3A] : memref<65536xf32, #tpu.memory_space<vmem>> -> memref<8192xf32, #tpu.memory_space<vmem>>
        %dma_wait3A_675 = arith.constant 0 : i32
        %dma_wait3A_676 = tpu.memref_slice %arg2[%add3A_4, %dma_wait3A_675] : memref<1024x8192xf32, #tpu.memory_space<hbm>> -> memref<1x8192xf32, #tpu.memory_space<hbm>>
        %dma_wait3A_677 = tpu.memref_squeeze %dma_wait3A_676 : memref<1x8192xf32, #tpu.memory_space<hbm>> -> memref<8192xf32, #tpu.memory_space<hbm>>
        %dma_wait3A_678 = arith.constant 24576 : i32
        %dma_wait3A_679 = tpu.memref_slice %arg4[%dma_wait3A_678] : memref<65536xf32, #tpu.memory_space<vmem>> -> memref<8192xf32, #tpu.memory_space<vmem>>
        %dma_wait3A_680 = arith.constant 0 : i32
        %dma_wait3A_681 = tpu.memref_slice %arg2[%add3A_4, %dma_wait3A_680] : memref<1024x8192xf32, #tpu.memory_space<hbm>> -> memref<1x8192xf32, #tpu.memory_space<hbm>>
        %dma_wait3A_682 = tpu.memref_squeeze %dma_wait3A_681 : memref<1x8192xf32, #tpu.memory_space<hbm>> -> memref<8192xf32, #tpu.memory_space<hbm>>
        tpu.wait_dma2 semaphore(%arg11 : memref<!tpu.dma_semaphore, #tpu.memory_space<semaphore_mem>>) src(%dma_wait3A_682 : memref<8192xf32, #tpu.memory_space<hbm>>) dst(%dma_wait3A_679 : memref<8192xf32, #tpu.memory_space<vmem>>)
      } else {
      }
      %eq3A_121 = arith.constant 4 : i32
      %eq3A_122 = arith.cmpi eq, %rem3A_99, %eq3A_121 : i32
      %convert_element_type3A_123 = arith.extui %eq3A_122 : i1 to i32
      %cond3A_124 = arith.constant 0 : i32
      %cond3A_125 = arith.cmpi ne, %convert_element_type3A_123, %cond3A_124 : i32
      scf.if %cond3A_125 {
        %dma_wait3A = arith.constant 32768 : i32
        %dma_wait3A_674 = tpu.memref_slice %arg4[%dma_wait3A] : memref<65536xf32, #tpu.memory_space<vmem>> -> memref<8192xf32, #tpu.memory_space<vmem>>
        %dma_wait3A_675 = arith.constant 0 : i32
        %dma_wait3A_676 = tpu.memref_slice %arg2[%add3A_4, %dma_wait3A_675] : memref<1024x8192xf32, #tpu.memory_space<hbm>> -> memref<1x8192xf32, #tpu.memory_space<hbm>>
        %dma_wait3A_677 = tpu.memref_squeeze %dma_wait3A_676 : memref<1x8192xf32, #tpu.memory_space<hbm>> -> memref<8192xf32, #tpu.memory_space<hbm>>
        %dma_wait3A_678 = arith.constant 32768 : i32
        %dma_wait3A_679 = tpu.memref_slice %arg4[%dma_wait3A_678] : memref<65536xf32, #tpu.memory_space<vmem>> -> memref<8192xf32, #tpu.memory_space<vmem>>
        %dma_wait3A_680 = arith.constant 0 : i32
        %dma_wait3A_681 = tpu.memref_slice %arg2[%add3A_4, %dma_wait3A_680] : memref<1024x8192xf32, #tpu.memory_space<hbm>> -> memref<1x8192xf32, #tpu.memory_space<hbm>>
        %dma_wait3A_682 = tpu.memref_squeeze %dma_wait3A_681 : memref<1x8192xf32, #tpu.memory_space<hbm>> -> memref<8192xf32, #tpu.memory_space<hbm>>
        tpu.wait_dma2 semaphore(%arg12 : memref<!tpu.dma_semaphore, #tpu.memory_space<semaphore_mem>>) src(%dma_wait3A_682 : memref<8192xf32, #tpu.memory_space<hbm>>) dst(%dma_wait3A_679 : memref<8192xf32, #tpu.memory_space<vmem>>)
      } else {
      }
      %eq3A_126 = arith.constant 5 : i32
      %eq3A_127 = arith.cmpi eq, %rem3A_99, %eq3A_126 : i32
      %convert_element_type3A_128 = arith.extui %eq3A_127 : i1 to i32
      %cond3A_129 = arith.constant 0 : i32
      %cond3A_130 = arith.cmpi ne, %convert_element_type3A_128, %cond3A_129 : i32
      scf.if %cond3A_130 {
        %dma_wait3A = arith.constant 40960 : i32
        %dma_wait3A_674 = tpu.memref_slice %arg4[%dma_wait3A] : memref<65536xf32, #tpu.memory_space<vmem>> -> memref<8192xf32, #tpu.memory_space<vmem>>
        %dma_wait3A_675 = arith.constant 0 : i32
        %dma_wait3A_676 = tpu.memref_slice %arg2[%add3A_4, %dma_wait3A_675] : memref<1024x8192xf32, #tpu.memory_space<hbm>> -> memref<1x8192xf32, #tpu.memory_space<hbm>>
        %dma_wait3A_677 = tpu.memref_squeeze %dma_wait3A_676 : memref<1x8192xf32, #tpu.memory_space<hbm>> -> memref<8192xf32, #tpu.memory_space<hbm>>
        %dma_wait3A_678 = arith.constant 40960 : i32
        %dma_wait3A_679 = tpu.memref_slice %arg4[%dma_wait3A_678] : memref<65536xf32, #tpu.memory_space<vmem>> -> memref<8192xf32, #tpu.memory_space<vmem>>
        %dma_wait3A_680 = arith.constant 0 : i32
        %dma_wait3A_681 = tpu.memref_slice %arg2[%add3A_4, %dma_wait3A_680] : memref<1024x8192xf32, #tpu.memory_space<hbm>> -> memref<1x8192xf32, #tpu.memory_space<hbm>>
        %dma_wait3A_682 = tpu.memref_squeeze %dma_wait3A_681 : memref<1x8192xf32, #tpu.memory_space<hbm>> -> memref<8192xf32, #tpu.memory_space<hbm>>
        tpu.wait_dma2 semaphore(%arg13 : memref<!tpu.dma_semaphore, #tpu.memory_space<semaphore_mem>>) src(%dma_wait3A_682 : memref<8192xf32, #tpu.memory_space<hbm>>) dst(%dma_wait3A_679 : memref<8192xf32, #tpu.memory_space<vmem>>)
      } else {
      }
      %eq3A_131 = arith.constant 6 : i32
      %eq3A_132 = arith.cmpi eq, %rem3A_99, %eq3A_131 : i32
      %convert_element_type3A_133 = arith.extui %eq3A_132 : i1 to i32
      %cond3A_134 = arith.constant 0 : i32
      %cond3A_135 = arith.cmpi ne, %convert_element_type3A_133, %cond3A_134 : i32
      scf.if %cond3A_135 {
        %dma_wait3A = arith.constant 49152 : i32
        %dma_wait3A_674 = tpu.memref_slice %arg4[%dma_wait3A] : memref<65536xf32, #tpu.memory_space<vmem>> -> memref<8192xf32, #tpu.memory_space<vmem>>
        %dma_wait3A_675 = arith.constant 0 : i32
        %dma_wait3A_676 = tpu.memref_slice %arg2[%add3A_4, %dma_wait3A_675] : memref<1024x8192xf32, #tpu.memory_space<hbm>> -> memref<1x8192xf32, #tpu.memory_space<hbm>>
        %dma_wait3A_677 = tpu.memref_squeeze %dma_wait3A_676 : memref<1x8192xf32, #tpu.memory_space<hbm>> -> memref<8192xf32, #tpu.memory_space<hbm>>
        %dma_wait3A_678 = arith.constant 49152 : i32
        %dma_wait3A_679 = tpu.memref_slice %arg4[%dma_wait3A_678] : memref<65536xf32, #tpu.memory_space<vmem>> -> memref<8192xf32, #tpu.memory_space<vmem>>
        %dma_wait3A_680 = arith.constant 0 : i32
        %dma_wait3A_681 = tpu.memref_slice %arg2[%add3A_4, %dma_wait3A_680] : memref<1024x8192xf32, #tpu.memory_space<hbm>> -> memref<1x8192xf32, #tpu.memory_space<hbm>>
        %dma_wait3A_682 = tpu.memref_squeeze %dma_wait3A_681 : memref<1x8192xf32, #tpu.memory_space<hbm>> -> memref<8192xf32, #tpu.memory_space<hbm>>
        tpu.wait_dma2 semaphore(%arg14 : memref<!tpu.dma_semaphore, #tpu.memory_space<semaphore_mem>>) src(%dma_wait3A_682 : memref<8192xf32, #tpu.memory_space<hbm>>) dst(%dma_wait3A_679 : memref<8192xf32, #tpu.memory_space<vmem>>)
      } else {
      }
      %eq3A_136 = arith.constant 7 : i32
      %eq3A_137 = arith.cmpi eq, %rem3A_99, %eq3A_136 : i32
      %convert_element_type3A_138 = arith.extui %eq3A_137 : i1 to i32
      %cond3A_139 = arith.constant 0 : i32
      %cond3A_140 = arith.cmpi ne, %convert_element_type3A_138, %cond3A_139 : i32
      scf.if %cond3A_140 {
        %dma_wait3A = arith.constant 57344 : i32
        %dma_wait3A_674 = tpu.memref_slice %arg4[%dma_wait3A] : memref<65536xf32, #tpu.memory_space<vmem>> -> memref<8192xf32, #tpu.memory_space<vmem>>
        %dma_wait3A_675 = arith.constant 0 : i32
        %dma_wait3A_676 = tpu.memref_slice %arg2[%add3A_4, %dma_wait3A_675] : memref<1024x8192xf32, #tpu.memory_space<hbm>> -> memref<1x8192xf32, #tpu.memory_space<hbm>>
        %dma_wait3A_677 = tpu.memref_squeeze %dma_wait3A_676 : memref<1x8192xf32, #tpu.memory_space<hbm>> -> memref<8192xf32, #tpu.memory_space<hbm>>
        %dma_wait3A_678 = arith.constant 57344 : i32
        %dma_wait3A_679 = tpu.memref_slice %arg4[%dma_wait3A_678] : memref<65536xf32, #tpu.memory_space<vmem>> -> memref<8192xf32, #tpu.memory_space<vmem>>
        %dma_wait3A_680 = arith.constant 0 : i32
        %dma_wait3A_681 = tpu.memref_slice %arg2[%add3A_4, %dma_wait3A_680] : memref<1024x8192xf32, #tpu.memory_space<hbm>> -> memref<1x8192xf32, #tpu.memory_space<hbm>>
        %dma_wait3A_682 = tpu.memref_squeeze %dma_wait3A_681 : memref<1x8192xf32, #tpu.memory_space<hbm>> -> memref<8192xf32, #tpu.memory_space<hbm>>
        tpu.wait_dma2 semaphore(%arg15 : memref<!tpu.dma_semaphore, #tpu.memory_space<semaphore_mem>>) src(%dma_wait3A_682 : memref<8192xf32, #tpu.memory_space<hbm>>) dst(%dma_wait3A_679 : memref<8192xf32, #tpu.memory_space<vmem>>)
      } else {
      }
      %mul3A_141 = arith.constant 8192 : i32
      %mul3A_142 = arith.muli %rem3A_99, %mul3A_141 : i32
      %scan3A_143 = arith.constant 0 : i32
      %scan3A_144 = arith.constant 32 : i32
      %scan3A_145 = arith.addi %scan3A_143, %scan3A_144 : i32
      %scan3A_146 = arith.constant 1 : i32
      %scan3A_147 = scf.for %scan3A_674 = %scan3A_143 to %scan3A_145 step %scan3A_146 iter_args(%scan3A_675 = %broadcast_in_dim3A_5) -> (vector<16xf32>)  : i32 {
        %mul3A_676 = arith.constant 256 : i32
        %mul3A_677 = arith.muli %scan3A_674, %mul3A_676 : i32
        %add3A_678 = arith.addi %mul3A_142, %mul3A_677 : i32
        %get3A_679 = arith.index_cast %add3A_678 : i32 to index
        %get3A_680 = tpu.vector_load %arg4[%get3A_679] {strides = array<i32>} : memref<65536xf32, #tpu.memory_space<vmem>>, vector<16xf32>,
        %add3A_681 = arith.constant 16 : i32
        %add3A_682 = arith.addi %add3A_678, %add3A_681 : i32
        %get3A_683 = arith.index_cast %add3A_682 : i32 to index
        %get3A_684 = tpu.vector_load %arg4[%get3A_683] {strides = array<i32>} : memref<65536xf32, #tpu.memory_space<vmem>>, vector<16xf32>,
        %max3A_685 = arith.maximumf %get3A_680, %get3A_684 : vector<16xf32>
        %add3A_686 = arith.constant 32 : i32
        %add3A_687 = arith.addi %add3A_678, %add3A_686 : i32
        %get3A_688 = arith.index_cast %add3A_687 : i32 to index
        %get3A_689 = tpu.vector_load %arg4[%get3A_688] {strides = array<i32>} : memref<65536xf32, #tpu.memory_space<vmem>>, vector<16xf32>,
        %max3A_690 = arith.maximumf %max3A_685, %get3A_689 : vector<16xf32>
        %add3A_691 = arith.constant 48 : i32
        %add3A_692 = arith.addi %add3A_678, %add3A_691 : i32
        %get3A_693 = arith.index_cast %add3A_692 : i32 to index
        %get3A_694 = tpu.vector_load %arg4[%get3A_693] {strides = array<i32>} : memref<65536xf32, #tpu.memory_space<vmem>>, vector<16xf32>,
        %max3A_695 = arith.maximumf %max3A_690, %get3A_694 : vector<16xf32>
        %add3A_696 = arith.constant 64 : i32
        %add3A_697 = arith.addi %add3A_678, %add3A_696 : i32
        %get3A_698 = arith.index_cast %add3A_697 : i32 to index
        %get3A_699 = tpu.vector_load %arg4[%get3A_698] {strides = array<i32>} : memref<65536xf32, #tpu.memory_space<vmem>>, vector<16xf32>,
        %max3A_700 = arith.maximumf %max3A_695, %get3A_699 : vector<16xf32>
        %add3A_701 = arith.constant 80 : i32
        %add3A_702 = arith.addi %add3A_678, %add3A_701 : i32
        %get3A_703 = arith.index_cast %add3A_702 : i32 to index
        %get3A_704 = tpu.vector_load %arg4[%get3A_703] {strides = array<i32>} : memref<65536xf32, #tpu.memory_space<vmem>>, vector<16xf32>,
        %max3A_705 = arith.maximumf %max3A_700, %get3A_704 : vector<16xf32>
        %add3A_706 = arith.constant 96 : i32
        %add3A_707 = arith.addi %add3A_678, %add3A_706 : i32
        %get3A_708 = arith.index_cast %add3A_707 : i32 to index
        %get3A_709 = tpu.vector_load %arg4[%get3A_708] {strides = array<i32>} : memref<65536xf32, #tpu.memory_space<vmem>>, vector<16xf32>,
        %max3A_710 = arith.maximumf %max3A_705, %get3A_709 : vector<16xf32>
        %add3A_711 = arith.constant 112 : i32
        %add3A_712 = arith.addi %add3A_678, %add3A_711 : i32
        %get3A_713 = arith.index_cast %add3A_712 : i32 to index
        %get3A_714 = tpu.vector_load %arg4[%get3A_713] {strides = array<i32>} : memref<65536xf32, #tpu.memory_space<vmem>>, vector<16xf32>,
        %max3A_715 = arith.maximumf %max3A_710, %get3A_714 : vector<16xf32>
        %add3A_716 = arith.constant 128 : i32
        %add3A_717 = arith.addi %add3A_678, %add3A_716 : i32
        %get3A_718 = arith.index_cast %add3A_717 : i32 to index
        %get3A_719 = tpu.vector_load %arg4[%get3A_718] {strides = array<i32>} : memref<65536xf32, #tpu.memory_space<vmem>>, vector<16xf32>,
        %max3A_720 = arith.maximumf %max3A_715, %get3A_719 : vector<16xf32>
        %add3A_721 = arith.constant 144 : i32
        %add3A_722 = arith.addi %add3A_678, %add3A_721 : i32
        %get3A_723 = arith.index_cast %add3A_722 : i32 to index
        %get3A_724 = tpu.vector_load %arg4[%get3A_723] {strides = array<i32>} : memref<65536xf32, #tpu.memory_space<vmem>>, vector<16xf32>,
        %max3A_725 = arith.maximumf %max3A_720, %get3A_724 : vector<16xf32>
        %add3A_726 = arith.constant 160 : i32
        %add3A_727 = arith.addi %add3A_678, %add3A_726 : i32
        %get3A_728 = arith.index_cast %add3A_727 : i32 to index
        %get3A_729 = tpu.vector_load %arg4[%get3A_728] {strides = array<i32>} : memref<65536xf32, #tpu.memory_space<vmem>>, vector<16xf32>,
        %max3A_730 = arith.maximumf %max3A_725, %get3A_729 : vector<16xf32>
        %add3A_731 = arith.constant 176 : i32
        %add3A_732 = arith.addi %add3A_678, %add3A_731 : i32
        %get3A_733 = arith.index_cast %add3A_732 : i32 to index
        %get3A_734 = tpu.vector_load %arg4[%get3A_733] {strides = array<i32>} : memref<65536xf32, #tpu.memory_space<vmem>>, vector<16xf32>,
        %max3A_735 = arith.maximumf %max3A_730, %get3A_734 : vector<16xf32>
        %add3A_736 = arith.constant 192 : i32
        %add3A_737 = arith.addi %add3A_678, %add3A_736 : i32
        %get3A_738 = arith.index_cast %add3A_737 : i32 to index
        %get3A_739 = tpu.vector_load %arg4[%get3A_738] {strides = array<i32>} : memref<65536xf32, #tpu.memory_space<vmem>>, vector<16xf32>,
        %max3A_740 = arith.maximumf %max3A_735, %get3A_739 : vector<16xf32>
        %add3A_741 = arith.constant 208 : i32
        %add3A_742 = arith.addi %add3A_678, %add3A_741 : i32
        %get3A_743 = arith.index_cast %add3A_742 : i32 to index
        %get3A_744 = tpu.vector_load %arg4[%get3A_743] {strides = array<i32>} : memref<65536xf32, #tpu.memory_space<vmem>>, vector<16xf32>,
        %max3A_745 = arith.maximumf %max3A_740, %get3A_744 : vector<16xf32>
        %add3A_746 = arith.constant 224 : i32
        %add3A_747 = arith.addi %add3A_678, %add3A_746 : i32
        %get3A_748 = arith.index_cast %add3A_747 : i32 to index
        %get3A_749 = tpu.vector_load %arg4[%get3A_748] {strides = array<i32>} : memref<65536xf32, #tpu.memory_space<vmem>>, vector<16xf32>,
        %max3A_750 = arith.maximumf %max3A_745, %get3A_749 : vector<16xf32>
        %add3A_751 = arith.constant 240 : i32
        %add3A_752 = arith.addi %add3A_678, %add3A_751 : i32
        %get3A_753 = arith.index_cast %add3A_752 : i32 to index
        %get3A_754 = tpu.vector_load %arg4[%get3A_753] {strides = array<i32>} : memref<65536xf32, #tpu.memory_space<vmem>>, vector<16xf32>,
        %max3A_755 = arith.maximumf %max3A_750, %get3A_754 : vector<16xf32>
        %mul3A_756 = arith.constant 16 : i32
        %mul3A_757 = arith.muli %scan3A_674, %mul3A_756 : i32
        %swap3A_758 = arith.index_cast %mul3A_757 : i32 to index
        %swap3A_759 = tpu.vector_load %arg5[%swap3A_758] {strides = array<i32>} : memref<512xf32, #tpu.memory_space<vmem>>, vector<16xf32>,
        tpu.vector_store %arg5[%swap3A_758], %max3A_755 {strides = array<i32>} : memref<512xf32, #tpu.memory_space<vmem>>, vector<16xf32>,
        %max3A_760 = arith.maximumf %scan3A_675, %max3A_755 : vector<16xf32>
        scf.yield %max3A_760 : vector<16xf32>
      }
      %scan3A_148 = arith.constant 32 : i32
      %masked_sort3A = arith.constant dense<true> : vector<16xi1>
      %masked_sort3A_149, %masked_sort3A_150, %masked_sort3A_151 = tpu.sort %scan3A_147, %scan3A_147 masked %masked_sort3A {descending = true} : (vector<16xf32>, vector<16xf32>, vector<16xi1>) -> (vector<16xi1>, vector<16xf32>, vector<16xf32>)
      %slice3A = vector.extract_strided_slice %masked_sort3A_150 {offsets = [7], sizes = [1], strides = [1]} : vector<16xf32> to vector<1xf32>
      %squeeze3A = vector.extract %slice3A[0] : f32 from vector<1xf32>
      %get3A = arith.constant 0 : index
      %get3A_152 = tpu.vector_load %arg5[%get3A] {strides = array<i32>} : memref<512xf32, #tpu.memory_space<vmem>>, vector<16xf32>,
      %ge3A = vector.broadcast %squeeze3A : f32 to vector<16xf32>
      %ge3A_153 = arith.cmpf oge, %get3A_152, %ge3A : vector<16xf32>
      %add3A_154 = arith.constant 0 : i32
      %add3A_155 = vector.broadcast %add3A_154 : i32 to vector<16xi32>
      %add3A_156 = arith.addi %iota3A, %add3A_155 : vector<16xi32>
      %swap3A = arith.constant 0 : i32
      %swap3A_157 = arith.index_cast %swap3A : i32 to index
      %swap3A_158 = tpu.vector_load %arg6[%swap3A_157] masked %ge3A_153 {strides = array<i32>} : memref<544xi32, #tpu.memory_space<vmem>>, vector<16xi32>, vector<16xi1>
      tpu.vector_store %arg6[%swap3A_157], %add3A_156 masked %ge3A_153 {strides = array<i32>} : memref<544xi32, #tpu.memory_space<vmem>>, vector<16xi32>, vector<16xi1>
      %all_reduce_population_count3A = tpu.all_reduce %ge3A_153 {dim = 0 : i64, kind = #tpu.reduction_kind<sum>} : vector<16xi1> -> vector<16xi32>
      %slice3A_159 = vector.extract_strided_slice %all_reduce_population_count3A {offsets = [0], sizes = [1], strides = [1]} : vector<16xi32> to vector<1xi32>
      %squeeze3A_160 = vector.extract %slice3A_159[0] : i32 from vector<1xi32>
      %add3A_161 = arith.constant 0 : i32
      %add3A_162 = arith.addi %add3A_161, %squeeze3A_160 : i32
      %get3A_163 = arith.constant 16 : index
      %get3A_164 = tpu.vector_load %arg5[%get3A_163] {strides = array<i32>} : memref<512xf32, #tpu.memory_space<vmem>>, vector<16xf32>,
      %ge3A_165 = vector.broadcast %squeeze3A : f32 to vector<16xf32>
      %ge3A_166 = arith.cmpf oge, %get3A_164, %ge3A_165 : vector<16xf32>
      %add3A_167 = arith.constant 16 : i32
      %add3A_168 = vector.broadcast %add3A_167 : i32 to vector<16xi32>
      %add3A_169 = arith.addi %iota3A, %add3A_168 : vector<16xi32>
      %swap3A_170 = arith.index_cast %add3A_162 : i32 to index
      %swap3A_171 = tpu.vector_load %arg6[%swap3A_170] masked %ge3A_166 {strides = array<i32>} : memref<544xi32, #tpu.memory_space<vmem>>, vector<16xi32>, vector<16xi1>
      tpu.vector_store %arg6[%swap3A_170], %add3A_169 masked %ge3A_166 {strides = array<i32>} : memref<544xi32, #tpu.memory_space<vmem>>, vector<16xi32>, vector<16xi1>
      %all_reduce_population_count3A_172 = tpu.all_reduce %ge3A_166 {dim = 0 : i64, kind = #tpu.reduction_kind<sum>} : vector<16xi1> -> vector<16xi32>
      %slice3A_173 = vector.extract_strided_slice %all_reduce_population_count3A_172 {offsets = [0], sizes = [1], strides = [1]} : vector<16xi32> to vector<1xi32>
      %squeeze3A_174 = vector.extract %slice3A_173[0] : i32 from vector<1xi32>
      %add3A_175 = arith.addi %add3A_162, %squeeze3A_174 : i32
      %get3A_176 = arith.constant 32 : index
      %get3A_177 = tpu.vector_load %arg5[%get3A_176] {strides = array<i32>} : memref<512xf32, #tpu.memory_space<vmem>>, vector<16xf32>,
      %ge3A_178 = vector.broadcast %squeeze3A : f32 to vector<16xf32>
      %ge3A_179 = arith.cmpf oge, %get3A_177, %ge3A_178 : vector<16xf32>
      %add3A_180 = arith.constant 32 : i32
      %add3A_181 = vector.broadcast %add3A_180 : i32 to vector<16xi32>
      %add3A_182 = arith.addi %iota3A, %add3A_181 : vector<16xi32>
      %swap3A_183 = arith.index_cast %add3A_175 : i32 to index
      %swap3A_184 = tpu.vector_load %arg6[%swap3A_183] masked %ge3A_179 {strides = array<i32>} : memref<544xi32, #tpu.memory_space<vmem>>, vector<16xi32>, vector<16xi1>
      tpu.vector_store %arg6[%swap3A_183], %add3A_182 masked %ge3A_179 {strides = array<i32>} : memref<544xi32, #tpu.memory_space<vmem>>, vector<16xi32>, vector<16xi1>
      %all_reduce_population_count3A_185 = tpu.all_reduce %ge3A_179 {dim = 0 : i64, kind = #tpu.reduction_kind<sum>} : vector<16xi1> -> vector<16xi32>
      %slice3A_186 = vector.extract_strided_slice %all_reduce_population_count3A_185 {offsets = [0], sizes = [1], strides = [1]} : vector<16xi32> to vector<1xi32>
      %squeeze3A_187 = vector.extract %slice3A_186[0] : i32 from vector<1xi32>
      %add3A_188 = arith.addi %add3A_175, %squeeze3A_187 : i32
      %get3A_189 = arith.constant 48 : index
      %get3A_190 = tpu.vector_load %arg5[%get3A_189] {strides = array<i32>} : memref<512xf32, #tpu.memory_space<vmem>>, vector<16xf32>,
      %ge3A_191 = vector.broadcast %squeeze3A : f32 to vector<16xf32>
      %ge3A_192 = arith.cmpf oge, %get3A_190, %ge3A_191 : vector<16xf32>
      %add3A_193 = arith.constant 48 : i32
      %add3A_194 = vector.broadcast %add3A_193 : i32 to vector<16xi32>
      %add3A_195 = arith.addi %iota3A, %add3A_194 : vector<16xi32>
      %swap3A_196 = arith.index_cast %add3A_188 : i32 to index
      %swap3A_197 = tpu.vector_load %arg6[%swap3A_196] masked %ge3A_192 {strides = array<i32>} : memref<544xi32, #tpu.memory_space<vmem>>, vector<16xi32>, vector<16xi1>
      tpu.vector_store %arg6[%swap3A_196], %add3A_195 masked %ge3A_192 {strides = array<i32>} : memref<544xi32, #tpu.memory_space<vmem>>, vector<16xi32>, vector<16xi1>
      %all_reduce_population_count3A_198 = tpu.all_reduce %ge3A_192 {dim = 0 : i64, kind = #tpu.reduction_kind<sum>} : vector<16xi1> -> vector<16xi32>
      %slice3A_199 = vector.extract_strided_slice %all_reduce_population_count3A_198 {offsets = [0], sizes = [1], strides = [1]} : vector<16xi32> to vector<1xi32>
      %squeeze3A_200 = vector.extract %slice3A_199[0] : i32 from vector<1xi32>
      %add3A_201 = arith.addi %add3A_188, %squeeze3A_200 : i32
      %get3A_202 = arith.constant 64 : index
      %get3A_203 = tpu.vector_load %arg5[%get3A_202] {strides = array<i32>} : memref<512xf32, #tpu.memory_space<vmem>>, vector<16xf32>,
      %ge3A_204 = vector.broadcast %squeeze3A : f32 to vector<16xf32>
      %ge3A_205 = arith.cmpf oge, %get3A_203, %ge3A_204 : vector<16xf32>
      %add3A_206 = arith.constant 64 : i32
      %add3A_207 = vector.broadcast %add3A_206 : i32 to vector<16xi32>
      %add3A_208 = arith.addi %iota3A, %add3A_207 : vector<16xi32>
      %swap3A_209 = arith.index_cast %add3A_201 : i32 to index
      %swap3A_210 = tpu.vector_load %arg6[%swap3A_209] masked %ge3A_205 {strides = array<i32>} : memref<544xi32, #tpu.memory_space<vmem>>, vector<16xi32>, vector<16xi1>
      tpu.vector_store %arg6[%swap3A_209], %add3A_208 masked %ge3A_205 {strides = array<i32>} : memref<544xi32, #tpu.memory_space<vmem>>, vector<16xi32>, vector<16xi1>
      %all_reduce_population_count3A_211 = tpu.all_reduce %ge3A_205 {dim = 0 : i64, kind = #tpu.reduction_kind<sum>} : vector<16xi1> -> vector<16xi32>
      %slice3A_212 = vector.extract_strided_slice %all_reduce_population_count3A_211 {offsets = [0], sizes = [1], strides = [1]} : vector<16xi32> to vector<1xi32>
      %squeeze3A_213 = vector.extract %slice3A_212[0] : i32 from vector<1xi32>
      %add3A_214 = arith.addi %add3A_201, %squeeze3A_213 : i32
      %get3A_215 = arith.constant 80 : index
      %get3A_216 = tpu.vector_load %arg5[%get3A_215] {strides = array<i32>} : memref<512xf32, #tpu.memory_space<vmem>>, vector<16xf32>,
      %ge3A_217 = vector.broadcast %squeeze3A : f32 to vector<16xf32>
      %ge3A_218 = arith.cmpf oge, %get3A_216, %ge3A_217 : vector<16xf32>
      %add3A_219 = arith.constant 80 : i32
      %add3A_220 = vector.broadcast %add3A_219 : i32 to vector<16xi32>
      %add3A_221 = arith.addi %iota3A, %add3A_220 : vector<16xi32>
      %swap3A_222 = arith.index_cast %add3A_214 : i32 to index
      %swap3A_223 = tpu.vector_load %arg6[%swap3A_222] masked %ge3A_218 {strides = array<i32>} : memref<544xi32, #tpu.memory_space<vmem>>, vector<16xi32>, vector<16xi1>
      tpu.vector_store %arg6[%swap3A_222], %add3A_221 masked %ge3A_218 {strides = array<i32>} : memref<544xi32, #tpu.memory_space<vmem>>, vector<16xi32>, vector<16xi1>
      %all_reduce_population_count3A_224 = tpu.all_reduce %ge3A_218 {dim = 0 : i64, kind = #tpu.reduction_kind<sum>} : vector<16xi1> -> vector<16xi32>
      %slice3A_225 = vector.extract_strided_slice %all_reduce_population_count3A_224 {offsets = [0], sizes = [1], strides = [1]} : vector<16xi32> to vector<1xi32>
      %squeeze3A_226 = vector.extract %slice3A_225[0] : i32 from vector<1xi32>
      %add3A_227 = arith.addi %add3A_214, %squeeze3A_226 : i32
      %get3A_228 = arith.constant 96 : index
      %get3A_229 = tpu.vector_load %arg5[%get3A_228] {strides = array<i32>} : memref<512xf32, #tpu.memory_space<vmem>>, vector<16xf32>,
      %ge3A_230 = vector.broadcast %squeeze3A : f32 to vector<16xf32>
      %ge3A_231 = arith.cmpf oge, %get3A_229, %ge3A_230 : vector<16xf32>
      %add3A_232 = arith.constant 96 : i32
      %add3A_233 = vector.broadcast %add3A_232 : i32 to vector<16xi32>
      %add3A_234 = arith.addi %iota3A, %add3A_233 : vector<16xi32>
      %swap3A_235 = arith.index_cast %add3A_227 : i32 to index
      %swap3A_236 = tpu.vector_load %arg6[%swap3A_235] masked %ge3A_231 {strides = array<i32>} : memref<544xi32, #tpu.memory_space<vmem>>, vector<16xi32>, vector<16xi1>
      tpu.vector_store %arg6[%swap3A_235], %add3A_234 masked %ge3A_231 {strides = array<i32>} : memref<544xi32, #tpu.memory_space<vmem>>, vector<16xi32>, vector<16xi1>
      %all_reduce_population_count3A_237 = tpu.all_reduce %ge3A_231 {dim = 0 : i64, kind = #tpu.reduction_kind<sum>} : vector<16xi1> -> vector<16xi32>
      %slice3A_238 = vector.extract_strided_slice %all_reduce_population_count3A_237 {offsets = [0], sizes = [1], strides = [1]} : vector<16xi32> to vector<1xi32>
      %squeeze3A_239 = vector.extract %slice3A_238[0] : i32 from vector<1xi32>
      %add3A_240 = arith.addi %add3A_227, %squeeze3A_239 : i32
      %get3A_241 = arith.constant 112 : index
      %get3A_242 = tpu.vector_load %arg5[%get3A_241] {strides = array<i32>} : memref<512xf32, #tpu.memory_space<vmem>>, vector<16xf32>,
      %ge3A_243 = vector.broadcast %squeeze3A : f32 to vector<16xf32>
      %ge3A_244 = arith.cmpf oge, %get3A_242, %ge3A_243 : vector<16xf32>
      %add3A_245 = arith.constant 112 : i32
      %add3A_246 = vector.broadcast %add3A_245 : i32 to vector<16xi32>
      %add3A_247 = arith.addi %iota3A, %add3A_246 : vector<16xi32>
      %swap3A_248 = arith.index_cast %add3A_240 : i32 to index
      %swap3A_249 = tpu.vector_load %arg6[%swap3A_248] masked %ge3A_244 {strides = array<i32>} : memref<544xi32, #tpu.memory_space<vmem>>, vector<16xi32>, vector<16xi1>
      tpu.vector_store %arg6[%swap3A_248], %add3A_247 masked %ge3A_244 {strides = array<i32>} : memref<544xi32, #tpu.memory_space<vmem>>, vector<16xi32>, vector<16xi1>
      %all_reduce_population_count3A_250 = tpu.all_reduce %ge3A_244 {dim = 0 : i64, kind = #tpu.reduction_kind<sum>} : vector<16xi1> -> vector<16xi32>
      %slice3A_251 = vector.extract_strided_slice %all_reduce_population_count3A_250 {offsets = [0], sizes = [1], strides = [1]} : vector<16xi32> to vector<1xi32>
      %squeeze3A_252 = vector.extract %slice3A_251[0] : i32 from vector<1xi32>
      %add3A_253 = arith.addi %add3A_240, %squeeze3A_252 : i32
      %get3A_254 = arith.constant 128 : index
      %get3A_255 = tpu.vector_load %arg5[%get3A_254] {strides = array<i32>} : memref<512xf32, #tpu.memory_space<vmem>>, vector<16xf32>,
      %ge3A_256 = vector.broadcast %squeeze3A : f32 to vector<16xf32>
      %ge3A_257 = arith.cmpf oge, %get3A_255, %ge3A_256 : vector<16xf32>
      %add3A_258 = arith.constant 128 : i32
      %add3A_259 = vector.broadcast %add3A_258 : i32 to vector<16xi32>
      %add3A_260 = arith.addi %iota3A, %add3A_259 : vector<16xi32>
      %swap3A_261 = arith.index_cast %add3A_253 : i32 to index
      %swap3A_262 = tpu.vector_load %arg6[%swap3A_261] masked %ge3A_257 {strides = array<i32>} : memref<544xi32, #tpu.memory_space<vmem>>, vector<16xi32>, vector<16xi1>
      tpu.vector_store %arg6[%swap3A_261], %add3A_260 masked %ge3A_257 {strides = array<i32>} : memref<544xi32, #tpu.memory_space<vmem>>, vector<16xi32>, vector<16xi1>
      %all_reduce_population_count3A_263 = tpu.all_reduce %ge3A_257 {dim = 0 : i64, kind = #tpu.reduction_kind<sum>} : vector<16xi1> -> vector<16xi32>
      %slice3A_264 = vector.extract_strided_slice %all_reduce_population_count3A_263 {offsets = [0], sizes = [1], strides = [1]} : vector<16xi32> to vector<1xi32>
      %squeeze3A_265 = vector.extract %slice3A_264[0] : i32 from vector<1xi32>
      %add3A_266 = arith.addi %add3A_253, %squeeze3A_265 : i32
      %get3A_267 = arith.constant 144 : index
      %get3A_268 = tpu.vector_load %arg5[%get3A_267] {strides = array<i32>} : memref<512xf32, #tpu.memory_space<vmem>>, vector<16xf32>,
      %ge3A_269 = vector.broadcast %squeeze3A : f32 to vector<16xf32>
      %ge3A_270 = arith.cmpf oge, %get3A_268, %ge3A_269 : vector<16xf32>
      %add3A_271 = arith.constant 144 : i32
      %add3A_272 = vector.broadcast %add3A_271 : i32 to vector<16xi32>
      %add3A_273 = arith.addi %iota3A, %add3A_272 : vector<16xi32>
      %swap3A_274 = arith.index_cast %add3A_266 : i32 to index
      %swap3A_275 = tpu.vector_load %arg6[%swap3A_274] masked %ge3A_270 {strides = array<i32>} : memref<544xi32, #tpu.memory_space<vmem>>, vector<16xi32>, vector<16xi1>
      tpu.vector_store %arg6[%swap3A_274], %add3A_273 masked %ge3A_270 {strides = array<i32>} : memref<544xi32, #tpu.memory_space<vmem>>, vector<16xi32>, vector<16xi1>
      %all_reduce_population_count3A_276 = tpu.all_reduce %ge3A_270 {dim = 0 : i64, kind = #tpu.reduction_kind<sum>} : vector<16xi1> -> vector<16xi32>
      %slice3A_277 = vector.extract_strided_slice %all_reduce_population_count3A_276 {offsets = [0], sizes = [1], strides = [1]} : vector<16xi32> to vector<1xi32>
      %squeeze3A_278 = vector.extract %slice3A_277[0] : i32 from vector<1xi32>
      %add3A_279 = arith.addi %add3A_266, %squeeze3A_278 : i32
      %get3A_280 = arith.constant 160 : index
      %get3A_281 = tpu.vector_load %arg5[%get3A_280] {strides = array<i32>} : memref<512xf32, #tpu.memory_space<vmem>>, vector<16xf32>,
      %ge3A_282 = vector.broadcast %squeeze3A : f32 to vector<16xf32>
      %ge3A_283 = arith.cmpf oge, %get3A_281, %ge3A_282 : vector<16xf32>
      %add3A_284 = arith.constant 160 : i32
      %add3A_285 = vector.broadcast %add3A_284 : i32 to vector<16xi32>
      %add3A_286 = arith.addi %iota3A, %add3A_285 : vector<16xi32>
      %swap3A_287 = arith.index_cast %add3A_279 : i32 to index
      %swap3A_288 = tpu.vector_load %arg6[%swap3A_287] masked %ge3A_283 {strides = array<i32>} : memref<544xi32, #tpu.memory_space<vmem>>, vector<16xi32>, vector<16xi1>
      tpu.vector_store %arg6[%swap3A_287], %add3A_286 masked %ge3A_283 {strides = array<i32>} : memref<544xi32, #tpu.memory_space<vmem>>, vector<16xi32>, vector<16xi1>
      %all_reduce_population_count3A_289 = tpu.all_reduce %ge3A_283 {dim = 0 : i64, kind = #tpu.reduction_kind<sum>} : vector<16xi1> -> vector<16xi32>
      %slice3A_290 = vector.extract_strided_slice %all_reduce_population_count3A_289 {offsets = [0], sizes = [1], strides = [1]} : vector<16xi32> to vector<1xi32>
      %squeeze3A_291 = vector.extract %slice3A_290[0] : i32 from vector<1xi32>
      %add3A_292 = arith.addi %add3A_279, %squeeze3A_291 : i32
      %get3A_293 = arith.constant 176 : index
      %get3A_294 = tpu.vector_load %arg5[%get3A_293] {strides = array<i32>} : memref<512xf32, #tpu.memory_space<vmem>>, vector<16xf32>,
      %ge3A_295 = vector.broadcast %squeeze3A : f32 to vector<16xf32>
      %ge3A_296 = arith.cmpf oge, %get3A_294, %ge3A_295 : vector<16xf32>
      %add3A_297 = arith.constant 176 : i32
      %add3A_298 = vector.broadcast %add3A_297 : i32 to vector<16xi32>
      %add3A_299 = arith.addi %iota3A, %add3A_298 : vector<16xi32>
      %swap3A_300 = arith.index_cast %add3A_292 : i32 to index
      %swap3A_301 = tpu.vector_load %arg6[%swap3A_300] masked %ge3A_296 {strides = array<i32>} : memref<544xi32, #tpu.memory_space<vmem>>, vector<16xi32>, vector<16xi1>
      tpu.vector_store %arg6[%swap3A_300], %add3A_299 masked %ge3A_296 {strides = array<i32>} : memref<544xi32, #tpu.memory_space<vmem>>, vector<16xi32>, vector<16xi1>
      %all_reduce_population_count3A_302 = tpu.all_reduce %ge3A_296 {dim = 0 : i64, kind = #tpu.reduction_kind<sum>} : vector<16xi1> -> vector<16xi32>
      %slice3A_303 = vector.extract_strided_slice %all_reduce_population_count3A_302 {offsets = [0], sizes = [1], strides = [1]} : vector<16xi32> to vector<1xi32>
      %squeeze3A_304 = vector.extract %slice3A_303[0] : i32 from vector<1xi32>
      %add3A_305 = arith.addi %add3A_292, %squeeze3A_304 : i32
      %get3A_306 = arith.constant 192 : index
      %get3A_307 = tpu.vector_load %arg5[%get3A_306] {strides = array<i32>} : memref<512xf32, #tpu.memory_space<vmem>>, vector<16xf32>,
      %ge3A_308 = vector.broadcast %squeeze3A : f32 to vector<16xf32>
      %ge3A_309 = arith.cmpf oge, %get3A_307, %ge3A_308 : vector<16xf32>
      %add3A_310 = arith.constant 192 : i32
      %add3A_311 = vector.broadcast %add3A_310 : i32 to vector<16xi32>
      %add3A_312 = arith.addi %iota3A, %add3A_311 : vector<16xi32>
      %swap3A_313 = arith.index_cast %add3A_305 : i32 to index
      %swap3A_314 = tpu.vector_load %arg6[%swap3A_313] masked %ge3A_309 {strides = array<i32>} : memref<544xi32, #tpu.memory_space<vmem>>, vector<16xi32>, vector<16xi1>
      tpu.vector_store %arg6[%swap3A_313], %add3A_312 masked %ge3A_309 {strides = array<i32>} : memref<544xi32, #tpu.memory_space<vmem>>, vector<16xi32>, vector<16xi1>
      %all_reduce_population_count3A_315 = tpu.all_reduce %ge3A_309 {dim = 0 : i64, kind = #tpu.reduction_kind<sum>} : vector<16xi1> -> vector<16xi32>
      %slice3A_316 = vector.extract_strided_slice %all_reduce_population_count3A_315 {offsets = [0], sizes = [1], strides = [1]} : vector<16xi32> to vector<1xi32>
      %squeeze3A_317 = vector.extract %slice3A_316[0] : i32 from vector<1xi32>
      %add3A_318 = arith.addi %add3A_305, %squeeze3A_317 : i32
      %get3A_319 = arith.constant 208 : index
      %get3A_320 = tpu.vector_load %arg5[%get3A_319] {strides = array<i32>} : memref<512xf32, #tpu.memory_space<vmem>>, vector<16xf32>,
      %ge3A_321 = vector.broadcast %squeeze3A : f32 to vector<16xf32>
      %ge3A_322 = arith.cmpf oge, %get3A_320, %ge3A_321 : vector<16xf32>
      %add3A_323 = arith.constant 208 : i32
      %add3A_324 = vector.broadcast %add3A_323 : i32 to vector<16xi32>
      %add3A_325 = arith.addi %iota3A, %add3A_324 : vector<16xi32>
      %swap3A_326 = arith.index_cast %add3A_318 : i32 to index
      %swap3A_327 = tpu.vector_load %arg6[%swap3A_326] masked %ge3A_322 {strides = array<i32>} : memref<544xi32, #tpu.memory_space<vmem>>, vector<16xi32>, vector<16xi1>
      tpu.vector_store %arg6[%swap3A_326], %add3A_325 masked %ge3A_322 {strides = array<i32>} : memref<544xi32, #tpu.memory_space<vmem>>, vector<16xi32>, vector<16xi1>
      %all_reduce_population_count3A_328 = tpu.all_reduce %ge3A_322 {dim = 0 : i64, kind = #tpu.reduction_kind<sum>} : vector<16xi1> -> vector<16xi32>
      %slice3A_329 = vector.extract_strided_slice %all_reduce_population_count3A_328 {offsets = [0], sizes = [1], strides = [1]} : vector<16xi32> to vector<1xi32>
      %squeeze3A_330 = vector.extract %slice3A_329[0] : i32 from vector<1xi32>
      %add3A_331 = arith.addi %add3A_318, %squeeze3A_330 : i32
      %get3A_332 = arith.constant 224 : index
      %get3A_333 = tpu.vector_load %arg5[%get3A_332] {strides = array<i32>} : memref<512xf32, #tpu.memory_space<vmem>>, vector<16xf32>,
      %ge3A_334 = vector.broadcast %squeeze3A : f32 to vector<16xf32>
      %ge3A_335 = arith.cmpf oge, %get3A_333, %ge3A_334 : vector<16xf32>
      %add3A_336 = arith.constant 224 : i32
      %add3A_337 = vector.broadcast %add3A_336 : i32 to vector<16xi32>
      %add3A_338 = arith.addi %iota3A, %add3A_337 : vector<16xi32>
      %swap3A_339 = arith.index_cast %add3A_331 : i32 to index
      %swap3A_340 = tpu.vector_load %arg6[%swap3A_339] masked %ge3A_335 {strides = array<i32>} : memref<544xi32, #tpu.memory_space<vmem>>, vector<16xi32>, vector<16xi1>
      tpu.vector_store %arg6[%swap3A_339], %add3A_338 masked %ge3A_335 {strides = array<i32>} : memref<544xi32, #tpu.memory_space<vmem>>, vector<16xi32>, vector<16xi1>
      %all_reduce_population_count3A_341 = tpu.all_reduce %ge3A_335 {dim = 0 : i64, kind = #tpu.reduction_kind<sum>} : vector<16xi1> -> vector<16xi32>
      %slice3A_342 = vector.extract_strided_slice %all_reduce_population_count3A_341 {offsets = [0], sizes = [1], strides = [1]} : vector<16xi32> to vector<1xi32>
      %squeeze3A_343 = vector.extract %slice3A_342[0] : i32 from vector<1xi32>
      %add3A_344 = arith.addi %add3A_331, %squeeze3A_343 : i32
      %get3A_345 = arith.constant 240 : index
      %get3A_346 = tpu.vector_load %arg5[%get3A_345] {strides = array<i32>} : memref<512xf32, #tpu.memory_space<vmem>>, vector<16xf32>,
      %ge3A_347 = vector.broadcast %squeeze3A : f32 to vector<16xf32>
      %ge3A_348 = arith.cmpf oge, %get3A_346, %ge3A_347 : vector<16xf32>
      %add3A_349 = arith.constant 240 : i32
      %add3A_350 = vector.broadcast %add3A_349 : i32 to vector<16xi32>
      %add3A_351 = arith.addi %iota3A, %add3A_350 : vector<16xi32>
      %swap3A_352 = arith.index_cast %add3A_344 : i32 to index
      %swap3A_353 = tpu.vector_load %arg6[%swap3A_352] masked %ge3A_348 {strides = array<i32>} : memref<544xi32, #tpu.memory_space<vmem>>, vector<16xi32>, vector<16xi1>
      tpu.vector_store %arg6[%swap3A_352], %add3A_351 masked %ge3A_348 {strides = array<i32>} : memref<544xi32, #tpu.memory_space<vmem>>, vector<16xi32>, vector<16xi1>
      %all_reduce_population_count3A_354 = tpu.all_reduce %ge3A_348 {dim = 0 : i64, kind = #tpu.reduction_kind<sum>} : vector<16xi1> -> vector<16xi32>
      %slice3A_355 = vector.extract_strided_slice %all_reduce_population_count3A_354 {offsets = [0], sizes = [1], strides = [1]} : vector<16xi32> to vector<1xi32>
      %squeeze3A_356 = vector.extract %slice3A_355[0] : i32 from vector<1xi32>
      %add3A_357 = arith.addi %add3A_344, %squeeze3A_356 : i32
      %get3A_358 = arith.constant 256 : index
      %get3A_359 = tpu.vector_load %arg5[%get3A_358] {strides = array<i32>} : memref<512xf32, #tpu.memory_space<vmem>>, vector<16xf32>,
      %ge3A_360 = vector.broadcast %squeeze3A : f32 to vector<16xf32>
      %ge3A_361 = arith.cmpf oge, %get3A_359, %ge3A_360 : vector<16xf32>
      %add3A_362 = arith.constant 256 : i32
      %add3A_363 = vector.broadcast %add3A_362 : i32 to vector<16xi32>
      %add3A_364 = arith.addi %iota3A, %add3A_363 : vector<16xi32>
      %swap3A_365 = arith.index_cast %add3A_357 : i32 to index
      %swap3A_366 = tpu.vector_load %arg6[%swap3A_365] masked %ge3A_361 {strides = array<i32>} : memref<544xi32, #tpu.memory_space<vmem>>, vector<16xi32>, vector<16xi1>
      tpu.vector_store %arg6[%swap3A_365], %add3A_364 masked %ge3A_361 {strides = array<i32>} : memref<544xi32, #tpu.memory_space<vmem>>, vector<16xi32>, vector<16xi1>
      %all_reduce_population_count3A_367 = tpu.all_reduce %ge3A_361 {dim = 0 : i64, kind = #tpu.reduction_kind<sum>} : vector<16xi1> -> vector<16xi32>
      %slice3A_368 = vector.extract_strided_slice %all_reduce_population_count3A_367 {offsets = [0], sizes = [1], strides = [1]} : vector<16xi32> to vector<1xi32>
      %squeeze3A_369 = vector.extract %slice3A_368[0] : i32 from vector<1xi32>
      %add3A_370 = arith.addi %add3A_357, %squeeze3A_369 : i32
      %get3A_371 = arith.constant 272 : index
      %get3A_372 = tpu.vector_load %arg5[%get3A_371] {strides = array<i32>} : memref<512xf32, #tpu.memory_space<vmem>>, vector<16xf32>,
      %ge3A_373 = vector.broadcast %squeeze3A : f32 to vector<16xf32>
      %ge3A_374 = arith.cmpf oge, %get3A_372, %ge3A_373 : vector<16xf32>
      %add3A_375 = arith.constant 272 : i32
      %add3A_376 = vector.broadcast %add3A_375 : i32 to vector<16xi32>
      %add3A_377 = arith.addi %iota3A, %add3A_376 : vector<16xi32>
      %swap3A_378 = arith.index_cast %add3A_370 : i32 to index
      %swap3A_379 = tpu.vector_load %arg6[%swap3A_378] masked %ge3A_374 {strides = array<i32>} : memref<544xi32, #tpu.memory_space<vmem>>, vector<16xi32>, vector<16xi1>
      tpu.vector_store %arg6[%swap3A_378], %add3A_377 masked %ge3A_374 {strides = array<i32>} : memref<544xi32, #tpu.memory_space<vmem>>, vector<16xi32>, vector<16xi1>
      %all_reduce_population_count3A_380 = tpu.all_reduce %ge3A_374 {dim = 0 : i64, kind = #tpu.reduction_kind<sum>} : vector<16xi1> -> vector<16xi32>
      %slice3A_381 = vector.extract_strided_slice %all_reduce_population_count3A_380 {offsets = [0], sizes = [1], strides = [1]} : vector<16xi32> to vector<1xi32>
      %squeeze3A_382 = vector.extract %slice3A_381[0] : i32 from vector<1xi32>
      %add3A_383 = arith.addi %add3A_370, %squeeze3A_382 : i32
      %get3A_384 = arith.constant 288 : index
      %get3A_385 = tpu.vector_load %arg5[%get3A_384] {strides = array<i32>} : memref<512xf32, #tpu.memory_space<vmem>>, vector<16xf32>,
      %ge3A_386 = vector.broadcast %squeeze3A : f32 to vector<16xf32>
      %ge3A_387 = arith.cmpf oge, %get3A_385, %ge3A_386 : vector<16xf32>
      %add3A_388 = arith.constant 288 : i32
      %add3A_389 = vector.broadcast %add3A_388 : i32 to vector<16xi32>
      %add3A_390 = arith.addi %iota3A, %add3A_389 : vector<16xi32>
      %swap3A_391 = arith.index_cast %add3A_383 : i32 to index
      %swap3A_392 = tpu.vector_load %arg6[%swap3A_391] masked %ge3A_387 {strides = array<i32>} : memref<544xi32, #tpu.memory_space<vmem>>, vector<16xi32>, vector<16xi1>
      tpu.vector_store %arg6[%swap3A_391], %add3A_390 masked %ge3A_387 {strides = array<i32>} : memref<544xi32, #tpu.memory_space<vmem>>, vector<16xi32>, vector<16xi1>
      %all_reduce_population_count3A_393 = tpu.all_reduce %ge3A_387 {dim = 0 : i64, kind = #tpu.reduction_kind<sum>} : vector<16xi1> -> vector<16xi32>
      %slice3A_394 = vector.extract_strided_slice %all_reduce_population_count3A_393 {offsets = [0], sizes = [1], strides = [1]} : vector<16xi32> to vector<1xi32>
      %squeeze3A_395 = vector.extract %slice3A_394[0] : i32 from vector<1xi32>
      %add3A_396 = arith.addi %add3A_383, %squeeze3A_395 : i32
      %get3A_397 = arith.constant 304 : index
      %get3A_398 = tpu.vector_load %arg5[%get3A_397] {strides = array<i32>} : memref<512xf32, #tpu.memory_space<vmem>>, vector<16xf32>,
      %ge3A_399 = vector.broadcast %squeeze3A : f32 to vector<16xf32>
      %ge3A_400 = arith.cmpf oge, %get3A_398, %ge3A_399 : vector<16xf32>
      %add3A_401 = arith.constant 304 : i32
      %add3A_402 = vector.broadcast %add3A_401 : i32 to vector<16xi32>
      %add3A_403 = arith.addi %iota3A, %add3A_402 : vector<16xi32>
      %swap3A_404 = arith.index_cast %add3A_396 : i32 to index
      %swap3A_405 = tpu.vector_load %arg6[%swap3A_404] masked %ge3A_400 {strides = array<i32>} : memref<544xi32, #tpu.memory_space<vmem>>, vector<16xi32>, vector<16xi1>
      tpu.vector_store %arg6[%swap3A_404], %add3A_403 masked %ge3A_400 {strides = array<i32>} : memref<544xi32, #tpu.memory_space<vmem>>, vector<16xi32>, vector<16xi1>
      %all_reduce_population_count3A_406 = tpu.all_reduce %ge3A_400 {dim = 0 : i64, kind = #tpu.reduction_kind<sum>} : vector<16xi1> -> vector<16xi32>
      %slice3A_407 = vector.extract_strided_slice %all_reduce_population_count3A_406 {offsets = [0], sizes = [1], strides = [1]} : vector<16xi32> to vector<1xi32>
      %squeeze3A_408 = vector.extract %slice3A_407[0] : i32 from vector<1xi32>
      %add3A_409 = arith.addi %add3A_396, %squeeze3A_408 : i32
      %get3A_410 = arith.constant 320 : index
      %get3A_411 = tpu.vector_load %arg5[%get3A_410] {strides = array<i32>} : memref<512xf32, #tpu.memory_space<vmem>>, vector<16xf32>,
      %ge3A_412 = vector.broadcast %squeeze3A : f32 to vector<16xf32>
      %ge3A_413 = arith.cmpf oge, %get3A_411, %ge3A_412 : vector<16xf32>
      %add3A_414 = arith.constant 320 : i32
      %add3A_415 = vector.broadcast %add3A_414 : i32 to vector<16xi32>
      %add3A_416 = arith.addi %iota3A, %add3A_415 : vector<16xi32>
      %swap3A_417 = arith.index_cast %add3A_409 : i32 to index
      %swap3A_418 = tpu.vector_load %arg6[%swap3A_417] masked %ge3A_413 {strides = array<i32>} : memref<544xi32, #tpu.memory_space<vmem>>, vector<16xi32>, vector<16xi1>
      tpu.vector_store %arg6[%swap3A_417], %add3A_416 masked %ge3A_413 {strides = array<i32>} : memref<544xi32, #tpu.memory_space<vmem>>, vector<16xi32>, vector<16xi1>
      %all_reduce_population_count3A_419 = tpu.all_reduce %ge3A_413 {dim = 0 : i64, kind = #tpu.reduction_kind<sum>} : vector<16xi1> -> vector<16xi32>
      %slice3A_420 = vector.extract_strided_slice %all_reduce_population_count3A_419 {offsets = [0], sizes = [1], strides = [1]} : vector<16xi32> to vector<1xi32>
      %squeeze3A_421 = vector.extract %slice3A_420[0] : i32 from vector<1xi32>
      %add3A_422 = arith.addi %add3A_409, %squeeze3A_421 : i32
      %get3A_423 = arith.constant 336 : index
      %get3A_424 = tpu.vector_load %arg5[%get3A_423] {strides = array<i32>} : memref<512xf32, #tpu.memory_space<vmem>>, vector<16xf32>,
      %ge3A_425 = vector.broadcast %squeeze3A : f32 to vector<16xf32>
      %ge3A_426 = arith.cmpf oge, %get3A_424, %ge3A_425 : vector<16xf32>
      %add3A_427 = arith.constant 336 : i32
      %add3A_428 = vector.broadcast %add3A_427 : i32 to vector<16xi32>
      %add3A_429 = arith.addi %iota3A, %add3A_428 : vector<16xi32>
      %swap3A_430 = arith.index_cast %add3A_422 : i32 to index
      %swap3A_431 = tpu.vector_load %arg6[%swap3A_430] masked %ge3A_426 {strides = array<i32>} : memref<544xi32, #tpu.memory_space<vmem>>, vector<16xi32>, vector<16xi1>
      tpu.vector_store %arg6[%swap3A_430], %add3A_429 masked %ge3A_426 {strides = array<i32>} : memref<544xi32, #tpu.memory_space<vmem>>, vector<16xi32>, vector<16xi1>
      %all_reduce_population_count3A_432 = tpu.all_reduce %ge3A_426 {dim = 0 : i64, kind = #tpu.reduction_kind<sum>} : vector<16xi1> -> vector<16xi32>
      %slice3A_433 = vector.extract_strided_slice %all_reduce_population_count3A_432 {offsets = [0], sizes = [1], strides = [1]} : vector<16xi32> to vector<1xi32>
      %squeeze3A_434 = vector.extract %slice3A_433[0] : i32 from vector<1xi32>
      %add3A_435 = arith.addi %add3A_422, %squeeze3A_434 : i32
      %get3A_436 = arith.constant 352 : index
      %get3A_437 = tpu.vector_load %arg5[%get3A_436] {strides = array<i32>} : memref<512xf32, #tpu.memory_space<vmem>>, vector<16xf32>,
      %ge3A_438 = vector.broadcast %squeeze3A : f32 to vector<16xf32>
      %ge3A_439 = arith.cmpf oge, %get3A_437, %ge3A_438 : vector<16xf32>
      %add3A_440 = arith.constant 352 : i32
      %add3A_441 = vector.broadcast %add3A_440 : i32 to vector<16xi32>
      %add3A_442 = arith.addi %iota3A, %add3A_441 : vector<16xi32>
      %swap3A_443 = arith.index_cast %add3A_435 : i32 to index
      %swap3A_444 = tpu.vector_load %arg6[%swap3A_443] masked %ge3A_439 {strides = array<i32>} : memref<544xi32, #tpu.memory_space<vmem>>, vector<16xi32>, vector<16xi1>
      tpu.vector_store %arg6[%swap3A_443], %add3A_442 masked %ge3A_439 {strides = array<i32>} : memref<544xi32, #tpu.memory_space<vmem>>, vector<16xi32>, vector<16xi1>
      %all_reduce_population_count3A_445 = tpu.all_reduce %ge3A_439 {dim = 0 : i64, kind = #tpu.reduction_kind<sum>} : vector<16xi1> -> vector<16xi32>
      %slice3A_446 = vector.extract_strided_slice %all_reduce_population_count3A_445 {offsets = [0], sizes = [1], strides = [1]} : vector<16xi32> to vector<1xi32>
      %squeeze3A_447 = vector.extract %slice3A_446[0] : i32 from vector<1xi32>
      %add3A_448 = arith.addi %add3A_435, %squeeze3A_447 : i32
      %get3A_449 = arith.constant 368 : index
      %get3A_450 = tpu.vector_load %arg5[%get3A_449] {strides = array<i32>} : memref<512xf32, #tpu.memory_space<vmem>>, vector<16xf32>,
      %ge3A_451 = vector.broadcast %squeeze3A : f32 to vector<16xf32>
      %ge3A_452 = arith.cmpf oge, %get3A_450, %ge3A_451 : vector<16xf32>
      %add3A_453 = arith.constant 368 : i32
      %add3A_454 = vector.broadcast %add3A_453 : i32 to vector<16xi32>
      %add3A_455 = arith.addi %iota3A, %add3A_454 : vector<16xi32>
      %swap3A_456 = arith.index_cast %add3A_448 : i32 to index
      %swap3A_457 = tpu.vector_load %arg6[%swap3A_456] masked %ge3A_452 {strides = array<i32>} : memref<544xi32, #tpu.memory_space<vmem>>, vector<16xi32>, vector<16xi1>
      tpu.vector_store %arg6[%swap3A_456], %add3A_455 masked %ge3A_452 {strides = array<i32>} : memref<544xi32, #tpu.memory_space<vmem>>, vector<16xi32>, vector<16xi1>
      %all_reduce_population_count3A_458 = tpu.all_reduce %ge3A_452 {dim = 0 : i64, kind = #tpu.reduction_kind<sum>} : vector<16xi1> -> vector<16xi32>
      %slice3A_459 = vector.extract_strided_slice %all_reduce_population_count3A_458 {offsets = [0], sizes = [1], strides = [1]} : vector<16xi32> to vector<1xi32>
      %squeeze3A_460 = vector.extract %slice3A_459[0] : i32 from vector<1xi32>
      %add3A_461 = arith.addi %add3A_448, %squeeze3A_460 : i32
      %get3A_462 = arith.constant 384 : index
      %get3A_463 = tpu.vector_load %arg5[%get3A_462] {strides = array<i32>} : memref<512xf32, #tpu.memory_space<vmem>>, vector<16xf32>,
      %ge3A_464 = vector.broadcast %squeeze3A : f32 to vector<16xf32>
      %ge3A_465 = arith.cmpf oge, %get3A_463, %ge3A_464 : vector<16xf32>
      %add3A_466 = arith.constant 384 : i32
      %add3A_467 = vector.broadcast %add3A_466 : i32 to vector<16xi32>
      %add3A_468 = arith.addi %iota3A, %add3A_467 : vector<16xi32>
      %swap3A_469 = arith.index_cast %add3A_461 : i32 to index
      %swap3A_470 = tpu.vector_load %arg6[%swap3A_469] masked %ge3A_465 {strides = array<i32>} : memref<544xi32, #tpu.memory_space<vmem>>, vector<16xi32>, vector<16xi1>
      tpu.vector_store %arg6[%swap3A_469], %add3A_468 masked %ge3A_465 {strides = array<i32>} : memref<544xi32, #tpu.memory_space<vmem>>, vector<16xi32>, vector<16xi1>
      %all_reduce_population_count3A_471 = tpu.all_reduce %ge3A_465 {dim = 0 : i64, kind = #tpu.reduction_kind<sum>} : vector<16xi1> -> vector<16xi32>
      %slice3A_472 = vector.extract_strided_slice %all_reduce_population_count3A_471 {offsets = [0], sizes = [1], strides = [1]} : vector<16xi32> to vector<1xi32>
      %squeeze3A_473 = vector.extract %slice3A_472[0] : i32 from vector<1xi32>
      %add3A_474 = arith.addi %add3A_461, %squeeze3A_473 : i32
      %get3A_475 = arith.constant 400 : index
      %get3A_476 = tpu.vector_load %arg5[%get3A_475] {strides = array<i32>} : memref<512xf32, #tpu.memory_space<vmem>>, vector<16xf32>,
      %ge3A_477 = vector.broadcast %squeeze3A : f32 to vector<16xf32>
      %ge3A_478 = arith.cmpf oge, %get3A_476, %ge3A_477 : vector<16xf32>
      %add3A_479 = arith.constant 400 : i32
      %add3A_480 = vector.broadcast %add3A_479 : i32 to vector<16xi32>
      %add3A_481 = arith.addi %iota3A, %add3A_480 : vector<16xi32>
      %swap3A_482 = arith.index_cast %add3A_474 : i32 to index
      %swap3A_483 = tpu.vector_load %arg6[%swap3A_482] masked %ge3A_478 {strides = array<i32>} : memref<544xi32, #tpu.memory_space<vmem>>, vector<16xi32>, vector<16xi1>
      tpu.vector_store %arg6[%swap3A_482], %add3A_481 masked %ge3A_478 {strides = array<i32>} : memref<544xi32, #tpu.memory_space<vmem>>, vector<16xi32>, vector<16xi1>
      %all_reduce_population_count3A_484 = tpu.all_reduce %ge3A_478 {dim = 0 : i64, kind = #tpu.reduction_kind<sum>} : vector<16xi1> -> vector<16xi32>
      %slice3A_485 = vector.extract_strided_slice %all_reduce_population_count3A_484 {offsets = [0], sizes = [1], strides = [1]} : vector<16xi32> to vector<1xi32>
      %squeeze3A_486 = vector.extract %slice3A_485[0] : i32 from vector<1xi32>
      %add3A_487 = arith.addi %add3A_474, %squeeze3A_486 : i32
      %get3A_488 = arith.constant 416 : index
      %get3A_489 = tpu.vector_load %arg5[%get3A_488] {strides = array<i32>} : memref<512xf32, #tpu.memory_space<vmem>>, vector<16xf32>,
      %ge3A_490 = vector.broadcast %squeeze3A : f32 to vector<16xf32>
      %ge3A_491 = arith.cmpf oge, %get3A_489, %ge3A_490 : vector<16xf32>
      %add3A_492 = arith.constant 416 : i32
      %add3A_493 = vector.broadcast %add3A_492 : i32 to vector<16xi32>
      %add3A_494 = arith.addi %iota3A, %add3A_493 : vector<16xi32>
      %swap3A_495 = arith.index_cast %add3A_487 : i32 to index
      %swap3A_496 = tpu.vector_load %arg6[%swap3A_495] masked %ge3A_491 {strides = array<i32>} : memref<544xi32, #tpu.memory_space<vmem>>, vector<16xi32>, vector<16xi1>
      tpu.vector_store %arg6[%swap3A_495], %add3A_494 masked %ge3A_491 {strides = array<i32>} : memref<544xi32, #tpu.memory_space<vmem>>, vector<16xi32>, vector<16xi1>
      %all_reduce_population_count3A_497 = tpu.all_reduce %ge3A_491 {dim = 0 : i64, kind = #tpu.reduction_kind<sum>} : vector<16xi1> -> vector<16xi32>
      %slice3A_498 = vector.extract_strided_slice %all_reduce_population_count3A_497 {offsets = [0], sizes = [1], strides = [1]} : vector<16xi32> to vector<1xi32>
      %squeeze3A_499 = vector.extract %slice3A_498[0] : i32 from vector<1xi32>
      %add3A_500 = arith.addi %add3A_487, %squeeze3A_499 : i32
      %get3A_501 = arith.constant 432 : index
      %get3A_502 = tpu.vector_load %arg5[%get3A_501] {strides = array<i32>} : memref<512xf32, #tpu.memory_space<vmem>>, vector<16xf32>,
      %ge3A_503 = vector.broadcast %squeeze3A : f32 to vector<16xf32>
      %ge3A_504 = arith.cmpf oge, %get3A_502, %ge3A_503 : vector<16xf32>
      %add3A_505 = arith.constant 432 : i32
      %add3A_506 = vector.broadcast %add3A_505 : i32 to vector<16xi32>
      %add3A_507 = arith.addi %iota3A, %add3A_506 : vector<16xi32>
      %swap3A_508 = arith.index_cast %add3A_500 : i32 to index
      %swap3A_509 = tpu.vector_load %arg6[%swap3A_508] masked %ge3A_504 {strides = array<i32>} : memref<544xi32, #tpu.memory_space<vmem>>, vector<16xi32>, vector<16xi1>
      tpu.vector_store %arg6[%swap3A_508], %add3A_507 masked %ge3A_504 {strides = array<i32>} : memref<544xi32, #tpu.memory_space<vmem>>, vector<16xi32>, vector<16xi1>
      %all_reduce_population_count3A_510 = tpu.all_reduce %ge3A_504 {dim = 0 : i64, kind = #tpu.reduction_kind<sum>} : vector<16xi1> -> vector<16xi32>
      %slice3A_511 = vector.extract_strided_slice %all_reduce_population_count3A_510 {offsets = [0], sizes = [1], strides = [1]} : vector<16xi32> to vector<1xi32>
      %squeeze3A_512 = vector.extract %slice3A_511[0] : i32 from vector<1xi32>
      %add3A_513 = arith.addi %add3A_500, %squeeze3A_512 : i32
      %get3A_514 = arith.constant 448 : index
      %get3A_515 = tpu.vector_load %arg5[%get3A_514] {strides = array<i32>} : memref<512xf32, #tpu.memory_space<vmem>>, vector<16xf32>,
      %ge3A_516 = vector.broadcast %squeeze3A : f32 to vector<16xf32>
      %ge3A_517 = arith.cmpf oge, %get3A_515, %ge3A_516 : vector<16xf32>
      %add3A_518 = arith.constant 448 : i32
      %add3A_519 = vector.broadcast %add3A_518 : i32 to vector<16xi32>
      %add3A_520 = arith.addi %iota3A, %add3A_519 : vector<16xi32>
      %swap3A_521 = arith.index_cast %add3A_513 : i32 to index
      %swap3A_522 = tpu.vector_load %arg6[%swap3A_521] masked %ge3A_517 {strides = array<i32>} : memref<544xi32, #tpu.memory_space<vmem>>, vector<16xi32>, vector<16xi1>
      tpu.vector_store %arg6[%swap3A_521], %add3A_520 masked %ge3A_517 {strides = array<i32>} : memref<544xi32, #tpu.memory_space<vmem>>, vector<16xi32>, vector<16xi1>
      %all_reduce_population_count3A_523 = tpu.all_reduce %ge3A_517 {dim = 0 : i64, kind = #tpu.reduction_kind<sum>} : vector<16xi1> -> vector<16xi32>
      %slice3A_524 = vector.extract_strided_slice %all_reduce_population_count3A_523 {offsets = [0], sizes = [1], strides = [1]} : vector<16xi32> to vector<1xi32>
      %squeeze3A_525 = vector.extract %slice3A_524[0] : i32 from vector<1xi32>
      %add3A_526 = arith.addi %add3A_513, %squeeze3A_525 : i32
      %get3A_527 = arith.constant 464 : index
      %get3A_528 = tpu.vector_load %arg5[%get3A_527] {strides = array<i32>} : memref<512xf32, #tpu.memory_space<vmem>>, vector<16xf32>,
      %ge3A_529 = vector.broadcast %squeeze3A : f32 to vector<16xf32>
      %ge3A_530 = arith.cmpf oge, %get3A_528, %ge3A_529 : vector<16xf32>
      %add3A_531 = arith.constant 464 : i32
      %add3A_532 = vector.broadcast %add3A_531 : i32 to vector<16xi32>
      %add3A_533 = arith.addi %iota3A, %add3A_532 : vector<16xi32>
      %swap3A_534 = arith.index_cast %add3A_526 : i32 to index
      %swap3A_535 = tpu.vector_load %arg6[%swap3A_534] masked %ge3A_530 {strides = array<i32>} : memref<544xi32, #tpu.memory_space<vmem>>, vector<16xi32>, vector<16xi1>
      tpu.vector_store %arg6[%swap3A_534], %add3A_533 masked %ge3A_530 {strides = array<i32>} : memref<544xi32, #tpu.memory_space<vmem>>, vector<16xi32>, vector<16xi1>
      %all_reduce_population_count3A_536 = tpu.all_reduce %ge3A_530 {dim = 0 : i64, kind = #tpu.reduction_kind<sum>} : vector<16xi1> -> vector<16xi32>
      %slice3A_537 = vector.extract_strided_slice %all_reduce_population_count3A_536 {offsets = [0], sizes = [1], strides = [1]} : vector<16xi32> to vector<1xi32>
      %squeeze3A_538 = vector.extract %slice3A_537[0] : i32 from vector<1xi32>
      %add3A_539 = arith.addi %add3A_526, %squeeze3A_538 : i32
      %get3A_540 = arith.constant 480 : index
      %get3A_541 = tpu.vector_load %arg5[%get3A_540] {strides = array<i32>} : memref<512xf32, #tpu.memory_space<vmem>>, vector<16xf32>,
      %ge3A_542 = vector.broadcast %squeeze3A : f32 to vector<16xf32>
      %ge3A_543 = arith.cmpf oge, %get3A_541, %ge3A_542 : vector<16xf32>
      %add3A_544 = arith.constant 480 : i32
      %add3A_545 = vector.broadcast %add3A_544 : i32 to vector<16xi32>
      %add3A_546 = arith.addi %iota3A, %add3A_545 : vector<16xi32>
      %swap3A_547 = arith.index_cast %add3A_539 : i32 to index
      %swap3A_548 = tpu.vector_load %arg6[%swap3A_547] masked %ge3A_543 {strides = array<i32>} : memref<544xi32, #tpu.memory_space<vmem>>, vector<16xi32>, vector<16xi1>
      tpu.vector_store %arg6[%swap3A_547], %add3A_546 masked %ge3A_543 {strides = array<i32>} : memref<544xi32, #tpu.memory_space<vmem>>, vector<16xi32>, vector<16xi1>
      %all_reduce_population_count3A_549 = tpu.all_reduce %ge3A_543 {dim = 0 : i64, kind = #tpu.reduction_kind<sum>} : vector<16xi1> -> vector<16xi32>
      %slice3A_550 = vector.extract_strided_slice %all_reduce_population_count3A_549 {offsets = [0], sizes = [1], strides = [1]} : vector<16xi32> to vector<1xi32>
      %squeeze3A_551 = vector.extract %slice3A_550[0] : i32 from vector<1xi32>
      %add3A_552 = arith.addi %add3A_539, %squeeze3A_551 : i32
      %get3A_553 = arith.constant 496 : index
      %get3A_554 = tpu.vector_load %arg5[%get3A_553] {strides = array<i32>} : memref<512xf32, #tpu.memory_space<vmem>>, vector<16xf32>,
      %ge3A_555 = vector.broadcast %squeeze3A : f32 to vector<16xf32>
      %ge3A_556 = arith.cmpf oge, %get3A_554, %ge3A_555 : vector<16xf32>
      %add3A_557 = arith.constant 496 : i32
      %add3A_558 = vector.broadcast %add3A_557 : i32 to vector<16xi32>
      %add3A_559 = arith.addi %iota3A, %add3A_558 : vector<16xi32>
      %swap3A_560 = arith.index_cast %add3A_552 : i32 to index
      %swap3A_561 = tpu.vector_load %arg6[%swap3A_560] masked %ge3A_556 {strides = array<i32>} : memref<544xi32, #tpu.memory_space<vmem>>, vector<16xi32>, vector<16xi1>
      tpu.vector_store %arg6[%swap3A_560], %add3A_559 masked %ge3A_556 {strides = array<i32>} : memref<544xi32, #tpu.memory_space<vmem>>, vector<16xi32>, vector<16xi1>
      %all_reduce_population_count3A_562 = tpu.all_reduce %ge3A_556 {dim = 0 : i64, kind = #tpu.reduction_kind<sum>} : vector<16xi1> -> vector<16xi32>
      %slice3A_563 = vector.extract_strided_slice %all_reduce_population_count3A_562 {offsets = [0], sizes = [1], strides = [1]} : vector<16xi32> to vector<1xi32>
      %squeeze3A_564 = vector.extract %slice3A_563[0] : i32 from vector<1xi32>
      %add3A_565 = arith.addi %add3A_552, %squeeze3A_564 : i32
      %while3A = arith.constant 0 : i32
      %while3A_566:9 = scf.while (%while3A_674 = %while3A, %while3A_675 = %broadcast_in_dim3A_5, %while3A_676 = %broadcast_in_dim3A_5, %while3A_677 = %broadcast_in_dim3A_5, %while3A_678 = %broadcast_in_dim3A_5, %while3A_679 = %broadcast_in_dim3A_5, %while3A_680 = %broadcast_in_dim3A_5, %while3A_681 = %broadcast_in_dim3A_5, %while3A_682 = %broadcast_in_dim3A_5) : (i32, vector<16xf32>, vector<16xf32>, vector<16xf32>, vector<16xf32>, vector<16xf32>, vector<16xf32>, vector<16xf32>, vector<16xf32>) -> (i32, vector<16xf32>, vector<16xf32>, vector<16xf32>, vector<16xf32>, vector<16xf32>, vector<16xf32>, vector<16xf32>, vector<16xf32>) {
        %mul3A_683 = arith.constant 16 : i32
        %mul3A_684 = arith.muli %while3A_674, %mul3A_683 : i32
        %lt3A_685 = arith.cmpi slt, %mul3A_684, %add3A_565 : i32
        scf.condition(%lt3A_685) %while3A_674, %while3A_675, %while3A_676, %while3A_677, %while3A_678, %while3A_679, %while3A_680, %while3A_681, %while3A_682 : i32, vector<16xf32>, vector<16xf32>, vector<16xf32>, vector<16xf32>, vector<16xf32>, vector<16xf32>, vector<16xf32>, vector<16xf32>
      } do {
      ^bb0(%while3A_674: i32, %while3A_675: vector<16xf32>, %while3A_676: vector<16xf32>, %while3A_677: vector<16xf32>, %while3A_678: vector<16xf32>, %while3A_679: vector<16xf32>, %while3A_680: vector<16xf32>, %while3A_681: vector<16xf32>, %while3A_682: vector<16xf32>):
        %mul3A_683 = arith.constant 16 : i32
        %mul3A_684 = arith.muli %while3A_674, %mul3A_683 : i32
        %add3A_685 = vector.broadcast %mul3A_684 : i32 to vector<16xi32>
        %add3A_686 = arith.addi %iota3A, %add3A_685 : vector<16xi32>
        %lt3A_687 = vector.broadcast %add3A_565 : i32 to vector<16xi32>
        %lt3A_688 = arith.cmpi slt, %add3A_686, %lt3A_687 : vector<16xi32>
        %get3A_689 = arith.index_cast %mul3A_684 : i32 to index
        %get3A_690 = tpu.vector_load %arg6[%get3A_689] {strides = array<i32>} : memref<544xi32, #tpu.memory_space<vmem>>, vector<16xi32>,
        %jit3A = arith.constant 0 : i32
        %broadcast_in_dim3A_691 = vector.broadcast %jit3A : i32 to vector<16xi32>
        %select_n3A = arith.select %lt3A_688, %get3A_690, %broadcast_in_dim3A_691 : vector<16xi1>, vector<16xi32>
        %shift_right_arithmetic3A = arith.constant 4 : i32
        %shift_right_arithmetic3A_692 = vector.broadcast %shift_right_arithmetic3A : i32 to vector<16xi32>
        %shift_right_arithmetic3A_693 = arith.shrsi %select_n3A, %shift_right_arithmetic3A_692 : vector<16xi32>
        %mul3A_694 = arith.constant 256 : i32
        %mul3A_695 = vector.broadcast %mul3A_694 : i32 to vector<16xi32>
        %mul3A_696 = arith.muli %shift_right_arithmetic3A_693, %mul3A_695 : vector<16xi32>
        %add3A_697 = vector.broadcast %mul3A_142 : i32 to vector<16xi32>
        %add3A_698 = arith.addi %add3A_697, %mul3A_696 : vector<16xi32>
        %and3A = arith.constant 15 : i32
        %and3A_699 = vector.broadcast %and3A : i32 to vector<16xi32>
        %and3A_700 = arith.andi %select_n3A, %and3A_699 : vector<16xi32>
        %add3A_701 = arith.addi %add3A_698, %and3A_700 : vector<16xi32>
        %add3A_702 = arith.constant 0 : i32
        %add3A_703 = vector.broadcast %add3A_702 : i32 to vector<16xi32>
        %add3A_704 = arith.addi %add3A_701, %add3A_703 : vector<16xi32>
        %gather3A = tpu.vector_load_idx %arg4[%add3A_704] masked %lt3A_688 : memref<65536xf32, #tpu.memory_space<vmem>>[vector<16xi32>], vector<16xf32>, vector<16xi1>
        %select_n3A_705 = arith.select %lt3A_688, %gather3A, %broadcast_in_dim3A_5 : vector<16xi1>, vector<16xf32>
        %max3A_706 = arith.maximumf %while3A_675, %select_n3A_705 : vector<16xf32>
        %min3A = arith.minimumf %while3A_675, %select_n3A_705 : vector<16xf32>
        %max3A_707 = arith.maximumf %while3A_676, %min3A : vector<16xf32>
        %min3A_708 = arith.minimumf %while3A_676, %min3A : vector<16xf32>
        %max3A_709 = arith.maximumf %while3A_677, %min3A_708 : vector<16xf32>
        %min3A_710 = arith.minimumf %while3A_677, %min3A_708 : vector<16xf32>
        %max3A_711 = arith.maximumf %while3A_678, %min3A_710 : vector<16xf32>
        %min3A_712 = arith.minimumf %while3A_678, %min3A_710 : vector<16xf32>
        %max3A_713 = arith.maximumf %while3A_679, %min3A_712 : vector<16xf32>
        %min3A_714 = arith.minimumf %while3A_679, %min3A_712 : vector<16xf32>
        %max3A_715 = arith.maximumf %while3A_680, %min3A_714 : vector<16xf32>
        %min3A_716 = arith.minimumf %while3A_680, %min3A_714 : vector<16xf32>
        %max3A_717 = arith.maximumf %while3A_681, %min3A_716 : vector<16xf32>
        %min3A_718 = arith.minimumf %while3A_681, %min3A_716 : vector<16xf32>
        %max3A_719 = arith.maximumf %while3A_682, %min3A_718 : vector<16xf32>
        %min3A_720 = arith.minimumf %while3A_682, %min3A_718 : vector<16xf32>
        %add3A_721 = arith.constant 16 : i32
        %add3A_722 = vector.broadcast %add3A_721 : i32 to vector<16xi32>
        %add3A_723 = arith.addi %add3A_701, %add3A_722 : vector<16xi32>
        %gather3A_724 = tpu.vector_load_idx %arg4[%add3A_723] masked %lt3A_688 : memref<65536xf32, #tpu.memory_space<vmem>>[vector<16xi32>], vector<16xf32>, vector<16xi1>
        %select_n3A_725 = arith.select %lt3A_688, %gather3A_724, %broadcast_in_dim3A_5 : vector<16xi1>, vector<16xf32>
        %max3A_726 = arith.maximumf %max3A_706, %select_n3A_725 : vector<16xf32>
        %min3A_727 = arith.minimumf %max3A_706, %select_n3A_725 : vector<16xf32>
        %max3A_728 = arith.maximumf %max3A_707, %min3A_727 : vector<16xf32>
        %min3A_729 = arith.minimumf %max3A_707, %min3A_727 : vector<16xf32>
        %max3A_730 = arith.maximumf %max3A_709, %min3A_729 : vector<16xf32>
        %min3A_731 = arith.minimumf %max3A_709, %min3A_729 : vector<16xf32>
        %max3A_732 = arith.maximumf %max3A_711, %min3A_731 : vector<16xf32>
        %min3A_733 = arith.minimumf %max3A_711, %min3A_731 : vector<16xf32>
        %max3A_734 = arith.maximumf %max3A_713, %min3A_733 : vector<16xf32>
        %min3A_735 = arith.minimumf %max3A_713, %min3A_733 : vector<16xf32>
        %max3A_736 = arith.maximumf %max3A_715, %min3A_735 : vector<16xf32>
        %min3A_737 = arith.minimumf %max3A_715, %min3A_735 : vector<16xf32>
        %max3A_738 = arith.maximumf %max3A_717, %min3A_737 : vector<16xf32>
        %min3A_739 = arith.minimumf %max3A_717, %min3A_737 : vector<16xf32>
        %max3A_740 = arith.maximumf %max3A_719, %min3A_739 : vector<16xf32>
        %min3A_741 = arith.minimumf %max3A_719, %min3A_739 : vector<16xf32>
        %add3A_742 = arith.constant 32 : i32
        %add3A_743 = vector.broadcast %add3A_742 : i32 to vector<16xi32>
        %add3A_744 = arith.addi %add3A_701, %add3A_743 : vector<16xi32>
        %gather3A_745 = tpu.vector_load_idx %arg4[%add3A_744] masked %lt3A_688 : memref<65536xf32, #tpu.memory_space<vmem>>[vector<16xi32>], vector<16xf32>, vector<16xi1>
        %select_n3A_746 = arith.select %lt3A_688, %gather3A_745, %broadcast_in_dim3A_5 : vector<16xi1>, vector<16xf32>
        %max3A_747 = arith.maximumf %max3A_726, %select_n3A_746 : vector<16xf32>
        %min3A_748 = arith.minimumf %max3A_726, %select_n3A_746 : vector<16xf32>
        %max3A_749 = arith.maximumf %max3A_728, %min3A_748 : vector<16xf32>
        %min3A_750 = arith.minimumf %max3A_728, %min3A_748 : vector<16xf32>
        %max3A_751 = arith.maximumf %max3A_730, %min3A_750 : vector<16xf32>
        %min3A_752 = arith.minimumf %max3A_730, %min3A_750 : vector<16xf32>
        %max3A_753 = arith.maximumf %max3A_732, %min3A_752 : vector<16xf32>
        %min3A_754 = arith.minimumf %max3A_732, %min3A_752 : vector<16xf32>
        %max3A_755 = arith.maximumf %max3A_734, %min3A_754 : vector<16xf32>
        %min3A_756 = arith.minimumf %max3A_734, %min3A_754 : vector<16xf32>
        %max3A_757 = arith.maximumf %max3A_736, %min3A_756 : vector<16xf32>
        %min3A_758 = arith.minimumf %max3A_736, %min3A_756 : vector<16xf32>
        %max3A_759 = arith.maximumf %max3A_738, %min3A_758 : vector<16xf32>
        %min3A_760 = arith.minimumf %max3A_738, %min3A_758 : vector<16xf32>
        %max3A_761 = arith.maximumf %max3A_740, %min3A_760 : vector<16xf32>
        %min3A_762 = arith.minimumf %max3A_740, %min3A_760 : vector<16xf32>
        %add3A_763 = arith.constant 48 : i32
        %add3A_764 = vector.broadcast %add3A_763 : i32 to vector<16xi32>
        %add3A_765 = arith.addi %add3A_701, %add3A_764 : vector<16xi32>
        %gather3A_766 = tpu.vector_load_idx %arg4[%add3A_765] masked %lt3A_688 : memref<65536xf32, #tpu.memory_space<vmem>>[vector<16xi32>], vector<16xf32>, vector<16xi1>
        %select_n3A_767 = arith.select %lt3A_688, %gather3A_766, %broadcast_in_dim3A_5 : vector<16xi1>, vector<16xf32>
        %max3A_768 = arith.maximumf %max3A_747, %select_n3A_767 : vector<16xf32>
        %min3A_769 = arith.minimumf %max3A_747, %select_n3A_767 : vector<16xf32>
        %max3A_770 = arith.maximumf %max3A_749, %min3A_769 : vector<16xf32>
        %min3A_771 = arith.minimumf %max3A_749, %min3A_769 : vector<16xf32>
        %max3A_772 = arith.maximumf %max3A_751, %min3A_771 : vector<16xf32>
        %min3A_773 = arith.minimumf %max3A_751, %min3A_771 : vector<16xf32>
        %max3A_774 = arith.maximumf %max3A_753, %min3A_773 : vector<16xf32>
        %min3A_775 = arith.minimumf %max3A_753, %min3A_773 : vector<16xf32>
        %max3A_776 = arith.maximumf %max3A_755, %min3A_775 : vector<16xf32>
        %min3A_777 = arith.minimumf %max3A_755, %min3A_775 : vector<16xf32>
        %max3A_778 = arith.maximumf %max3A_757, %min3A_777 : vector<16xf32>
        %min3A_779 = arith.minimumf %max3A_757, %min3A_777 : vector<16xf32>
        %max3A_780 = arith.maximumf %max3A_759, %min3A_779 : vector<16xf32>
        %min3A_781 = arith.minimumf %max3A_759, %min3A_779 : vector<16xf32>
        %max3A_782 = arith.maximumf %max3A_761, %min3A_781 : vector<16xf32>
        %min3A_783 = arith.minimumf %max3A_761, %min3A_781 : vector<16xf32>
        %add3A_784 = arith.constant 64 : i32
        %add3A_785 = vector.broadcast %add3A_784 : i32 to vector<16xi32>
        %add3A_786 = arith.addi %add3A_701, %add3A_785 : vector<16xi32>
        %gather3A_787 = tpu.vector_load_idx %arg4[%add3A_786] masked %lt3A_688 : memref<65536xf32, #tpu.memory_space<vmem>>[vector<16xi32>], vector<16xf32>, vector<16xi1>
        %select_n3A_788 = arith.select %lt3A_688, %gather3A_787, %broadcast_in_dim3A_5 : vector<16xi1>, vector<16xf32>
        %max3A_789 = arith.maximumf %max3A_768, %select_n3A_788 : vector<16xf32>
        %min3A_790 = arith.minimumf %max3A_768, %select_n3A_788 : vector<16xf32>
        %max3A_791 = arith.maximumf %max3A_770, %min3A_790 : vector<16xf32>
        %min3A_792 = arith.minimumf %max3A_770, %min3A_790 : vector<16xf32>
        %max3A_793 = arith.maximumf %max3A_772, %min3A_792 : vector<16xf32>
        %min3A_794 = arith.minimumf %max3A_772, %min3A_792 : vector<16xf32>
        %max3A_795 = arith.maximumf %max3A_774, %min3A_794 : vector<16xf32>
        %min3A_796 = arith.minimumf %max3A_774, %min3A_794 : vector<16xf32>
        %max3A_797 = arith.maximumf %max3A_776, %min3A_796 : vector<16xf32>
        %min3A_798 = arith.minimumf %max3A_776, %min3A_796 : vector<16xf32>
        %max3A_799 = arith.maximumf %max3A_778, %min3A_798 : vector<16xf32>
        %min3A_800 = arith.minimumf %max3A_778, %min3A_798 : vector<16xf32>
        %max3A_801 = arith.maximumf %max3A_780, %min3A_800 : vector<16xf32>
        %min3A_802 = arith.minimumf %max3A_780, %min3A_800 : vector<16xf32>
        %max3A_803 = arith.maximumf %max3A_782, %min3A_802 : vector<16xf32>
        %min3A_804 = arith.minimumf %max3A_782, %min3A_802 : vector<16xf32>
        %add3A_805 = arith.constant 80 : i32
        %add3A_806 = vector.broadcast %add3A_805 : i32 to vector<16xi32>
        %add3A_807 = arith.addi %add3A_701, %add3A_806 : vector<16xi32>
        %gather3A_808 = tpu.vector_load_idx %arg4[%add3A_807] masked %lt3A_688 : memref<65536xf32, #tpu.memory_space<vmem>>[vector<16xi32>], vector<16xf32>, vector<16xi1>
        %select_n3A_809 = arith.select %lt3A_688, %gather3A_808, %broadcast_in_dim3A_5 : vector<16xi1>, vector<16xf32>
        %max3A_810 = arith.maximumf %max3A_789, %select_n3A_809 : vector<16xf32>
        %min3A_811 = arith.minimumf %max3A_789, %select_n3A_809 : vector<16xf32>
        %max3A_812 = arith.maximumf %max3A_791, %min3A_811 : vector<16xf32>
        %min3A_813 = arith.minimumf %max3A_791, %min3A_811 : vector<16xf32>
        %max3A_814 = arith.maximumf %max3A_793, %min3A_813 : vector<16xf32>
        %min3A_815 = arith.minimumf %max3A_793, %min3A_813 : vector<16xf32>
        %max3A_816 = arith.maximumf %max3A_795, %min3A_815 : vector<16xf32>
        %min3A_817 = arith.minimumf %max3A_795, %min3A_815 : vector<16xf32>
        %max3A_818 = arith.maximumf %max3A_797, %min3A_817 : vector<16xf32>
        %min3A_819 = arith.minimumf %max3A_797, %min3A_817 : vector<16xf32>
        %max3A_820 = arith.maximumf %max3A_799, %min3A_819 : vector<16xf32>
        %min3A_821 = arith.minimumf %max3A_799, %min3A_819 : vector<16xf32>
        %max3A_822 = arith.maximumf %max3A_801, %min3A_821 : vector<16xf32>
        %min3A_823 = arith.minimumf %max3A_801, %min3A_821 : vector<16xf32>
        %max3A_824 = arith.maximumf %max3A_803, %min3A_823 : vector<16xf32>
        %min3A_825 = arith.minimumf %max3A_803, %min3A_823 : vector<16xf32>
        %add3A_826 = arith.constant 96 : i32
        %add3A_827 = vector.broadcast %add3A_826 : i32 to vector<16xi32>
        %add3A_828 = arith.addi %add3A_701, %add3A_827 : vector<16xi32>
        %gather3A_829 = tpu.vector_load_idx %arg4[%add3A_828] masked %lt3A_688 : memref<65536xf32, #tpu.memory_space<vmem>>[vector<16xi32>], vector<16xf32>, vector<16xi1>
        %select_n3A_830 = arith.select %lt3A_688, %gather3A_829, %broadcast_in_dim3A_5 : vector<16xi1>, vector<16xf32>
        %max3A_831 = arith.maximumf %max3A_810, %select_n3A_830 : vector<16xf32>
        %min3A_832 = arith.minimumf %max3A_810, %select_n3A_830 : vector<16xf32>
        %max3A_833 = arith.maximumf %max3A_812, %min3A_832 : vector<16xf32>
        %min3A_834 = arith.minimumf %max3A_812, %min3A_832 : vector<16xf32>
        %max3A_835 = arith.maximumf %max3A_814, %min3A_834 : vector<16xf32>
        %min3A_836 = arith.minimumf %max3A_814, %min3A_834 : vector<16xf32>
        %max3A_837 = arith.maximumf %max3A_816, %min3A_836 : vector<16xf32>
        %min3A_838 = arith.minimumf %max3A_816, %min3A_836 : vector<16xf32>
        %max3A_839 = arith.maximumf %max3A_818, %min3A_838 : vector<16xf32>
        %min3A_840 = arith.minimumf %max3A_818, %min3A_838 : vector<16xf32>
        %max3A_841 = arith.maximumf %max3A_820, %min3A_840 : vector<16xf32>
        %min3A_842 = arith.minimumf %max3A_820, %min3A_840 : vector<16xf32>
        %max3A_843 = arith.maximumf %max3A_822, %min3A_842 : vector<16xf32>
        %min3A_844 = arith.minimumf %max3A_822, %min3A_842 : vector<16xf32>
        %max3A_845 = arith.maximumf %max3A_824, %min3A_844 : vector<16xf32>
        %min3A_846 = arith.minimumf %max3A_824, %min3A_844 : vector<16xf32>
        %add3A_847 = arith.constant 112 : i32
        %add3A_848 = vector.broadcast %add3A_847 : i32 to vector<16xi32>
        %add3A_849 = arith.addi %add3A_701, %add3A_848 : vector<16xi32>
        %gather3A_850 = tpu.vector_load_idx %arg4[%add3A_849] masked %lt3A_688 : memref<65536xf32, #tpu.memory_space<vmem>>[vector<16xi32>], vector<16xf32>, vector<16xi1>
        %select_n3A_851 = arith.select %lt3A_688, %gather3A_850, %broadcast_in_dim3A_5 : vector<16xi1>, vector<16xf32>
        %max3A_852 = arith.maximumf %max3A_831, %select_n3A_851 : vector<16xf32>
        %min3A_853 = arith.minimumf %max3A_831, %select_n3A_851 : vector<16xf32>
        %max3A_854 = arith.maximumf %max3A_833, %min3A_853 : vector<16xf32>
        %min3A_855 = arith.minimumf %max3A_833, %min3A_853 : vector<16xf32>
        %max3A_856 = arith.maximumf %max3A_835, %min3A_855 : vector<16xf32>
        %min3A_857 = arith.minimumf %max3A_835, %min3A_855 : vector<16xf32>
        %max3A_858 = arith.maximumf %max3A_837, %min3A_857 : vector<16xf32>
        %min3A_859 = arith.minimumf %max3A_837, %min3A_857 : vector<16xf32>
        %max3A_860 = arith.maximumf %max3A_839, %min3A_859 : vector<16xf32>
        %min3A_861 = arith.minimumf %max3A_839, %min3A_859 : vector<16xf32>
        %max3A_862 = arith.maximumf %max3A_841, %min3A_861 : vector<16xf32>
        %min3A_863 = arith.minimumf %max3A_841, %min3A_861 : vector<16xf32>
        %max3A_864 = arith.maximumf %max3A_843, %min3A_863 : vector<16xf32>
        %min3A_865 = arith.minimumf %max3A_843, %min3A_863 : vector<16xf32>
        %max3A_866 = arith.maximumf %max3A_845, %min3A_865 : vector<16xf32>
        %min3A_867 = arith.minimumf %max3A_845, %min3A_865 : vector<16xf32>
        %add3A_868 = arith.constant 128 : i32
        %add3A_869 = vector.broadcast %add3A_868 : i32 to vector<16xi32>
        %add3A_870 = arith.addi %add3A_701, %add3A_869 : vector<16xi32>
        %gather3A_871 = tpu.vector_load_idx %arg4[%add3A_870] masked %lt3A_688 : memref<65536xf32, #tpu.memory_space<vmem>>[vector<16xi32>], vector<16xf32>, vector<16xi1>
        %select_n3A_872 = arith.select %lt3A_688, %gather3A_871, %broadcast_in_dim3A_5 : vector<16xi1>, vector<16xf32>
        %max3A_873 = arith.maximumf %max3A_852, %select_n3A_872 : vector<16xf32>
        %min3A_874 = arith.minimumf %max3A_852, %select_n3A_872 : vector<16xf32>
        %max3A_875 = arith.maximumf %max3A_854, %min3A_874 : vector<16xf32>
        %min3A_876 = arith.minimumf %max3A_854, %min3A_874 : vector<16xf32>
        %max3A_877 = arith.maximumf %max3A_856, %min3A_876 : vector<16xf32>
        %min3A_878 = arith.minimumf %max3A_856, %min3A_876 : vector<16xf32>
        %max3A_879 = arith.maximumf %max3A_858, %min3A_878 : vector<16xf32>
        %min3A_880 = arith.minimumf %max3A_858, %min3A_878 : vector<16xf32>
        %max3A_881 = arith.maximumf %max3A_860, %min3A_880 : vector<16xf32>
        %min3A_882 = arith.minimumf %max3A_860, %min3A_880 : vector<16xf32>
        %max3A_883 = arith.maximumf %max3A_862, %min3A_882 : vector<16xf32>
        %min3A_884 = arith.minimumf %max3A_862, %min3A_882 : vector<16xf32>
        %max3A_885 = arith.maximumf %max3A_864, %min3A_884 : vector<16xf32>
        %min3A_886 = arith.minimumf %max3A_864, %min3A_884 : vector<16xf32>
        %max3A_887 = arith.maximumf %max3A_866, %min3A_886 : vector<16xf32>
        %min3A_888 = arith.minimumf %max3A_866, %min3A_886 : vector<16xf32>
        %add3A_889 = arith.constant 144 : i32
        %add3A_890 = vector.broadcast %add3A_889 : i32 to vector<16xi32>
        %add3A_891 = arith.addi %add3A_701, %add3A_890 : vector<16xi32>
        %gather3A_892 = tpu.vector_load_idx %arg4[%add3A_891] masked %lt3A_688 : memref<65536xf32, #tpu.memory_space<vmem>>[vector<16xi32>], vector<16xf32>, vector<16xi1>
        %select_n3A_893 = arith.select %lt3A_688, %gather3A_892, %broadcast_in_dim3A_5 : vector<16xi1>, vector<16xf32>
        %max3A_894 = arith.maximumf %max3A_873, %select_n3A_893 : vector<16xf32>
        %min3A_895 = arith.minimumf %max3A_873, %select_n3A_893 : vector<16xf32>
        %max3A_896 = arith.maximumf %max3A_875, %min3A_895 : vector<16xf32>
        %min3A_897 = arith.minimumf %max3A_875, %min3A_895 : vector<16xf32>
        %max3A_898 = arith.maximumf %max3A_877, %min3A_897 : vector<16xf32>
        %min3A_899 = arith.minimumf %max3A_877, %min3A_897 : vector<16xf32>
        %max3A_900 = arith.maximumf %max3A_879, %min3A_899 : vector<16xf32>
        %min3A_901 = arith.minimumf %max3A_879, %min3A_899 : vector<16xf32>
        %max3A_902 = arith.maximumf %max3A_881, %min3A_901 : vector<16xf32>
        %min3A_903 = arith.minimumf %max3A_881, %min3A_901 : vector<16xf32>
        %max3A_904 = arith.maximumf %max3A_883, %min3A_903 : vector<16xf32>
        %min3A_905 = arith.minimumf %max3A_883, %min3A_903 : vector<16xf32>
        %max3A_906 = arith.maximumf %max3A_885, %min3A_905 : vector<16xf32>
        %min3A_907 = arith.minimumf %max3A_885, %min3A_905 : vector<16xf32>
        %max3A_908 = arith.maximumf %max3A_887, %min3A_907 : vector<16xf32>
        %min3A_909 = arith.minimumf %max3A_887, %min3A_907 : vector<16xf32>
        %add3A_910 = arith.constant 160 : i32
        %add3A_911 = vector.broadcast %add3A_910 : i32 to vector<16xi32>
        %add3A_912 = arith.addi %add3A_701, %add3A_911 : vector<16xi32>
        %gather3A_913 = tpu.vector_load_idx %arg4[%add3A_912] masked %lt3A_688 : memref<65536xf32, #tpu.memory_space<vmem>>[vector<16xi32>], vector<16xf32>, vector<16xi1>
        %select_n3A_914 = arith.select %lt3A_688, %gather3A_913, %broadcast_in_dim3A_5 : vector<16xi1>, vector<16xf32>
        %max3A_915 = arith.maximumf %max3A_894, %select_n3A_914 : vector<16xf32>
        %min3A_916 = arith.minimumf %max3A_894, %select_n3A_914 : vector<16xf32>
        %max3A_917 = arith.maximumf %max3A_896, %min3A_916 : vector<16xf32>
        %min3A_918 = arith.minimumf %max3A_896, %min3A_916 : vector<16xf32>
        %max3A_919 = arith.maximumf %max3A_898, %min3A_918 : vector<16xf32>
        %min3A_920 = arith.minimumf %max3A_898, %min3A_918 : vector<16xf32>
        %max3A_921 = arith.maximumf %max3A_900, %min3A_920 : vector<16xf32>
        %min3A_922 = arith.minimumf %max3A_900, %min3A_920 : vector<16xf32>
        %max3A_923 = arith.maximumf %max3A_902, %min3A_922 : vector<16xf32>
        %min3A_924 = arith.minimumf %max3A_902, %min3A_922 : vector<16xf32>
        %max3A_925 = arith.maximumf %max3A_904, %min3A_924 : vector<16xf32>
        %min3A_926 = arith.minimumf %max3A_904, %min3A_924 : vector<16xf32>
        %max3A_927 = arith.maximumf %max3A_906, %min3A_926 : vector<16xf32>
        %min3A_928 = arith.minimumf %max3A_906, %min3A_926 : vector<16xf32>
        %max3A_929 = arith.maximumf %max3A_908, %min3A_928 : vector<16xf32>
        %min3A_930 = arith.minimumf %max3A_908, %min3A_928 : vector<16xf32>
        %add3A_931 = arith.constant 176 : i32
        %add3A_932 = vector.broadcast %add3A_931 : i32 to vector<16xi32>
        %add3A_933 = arith.addi %add3A_701, %add3A_932 : vector<16xi32>
        %gather3A_934 = tpu.vector_load_idx %arg4[%add3A_933] masked %lt3A_688 : memref<65536xf32, #tpu.memory_space<vmem>>[vector<16xi32>], vector<16xf32>, vector<16xi1>
        %select_n3A_935 = arith.select %lt3A_688, %gather3A_934, %broadcast_in_dim3A_5 : vector<16xi1>, vector<16xf32>
        %max3A_936 = arith.maximumf %max3A_915, %select_n3A_935 : vector<16xf32>
        %min3A_937 = arith.minimumf %max3A_915, %select_n3A_935 : vector<16xf32>
        %max3A_938 = arith.maximumf %max3A_917, %min3A_937 : vector<16xf32>
        %min3A_939 = arith.minimumf %max3A_917, %min3A_937 : vector<16xf32>
        %max3A_940 = arith.maximumf %max3A_919, %min3A_939 : vector<16xf32>
        %min3A_941 = arith.minimumf %max3A_919, %min3A_939 : vector<16xf32>
        %max3A_942 = arith.maximumf %max3A_921, %min3A_941 : vector<16xf32>
        %min3A_943 = arith.minimumf %max3A_921, %min3A_941 : vector<16xf32>
        %max3A_944 = arith.maximumf %max3A_923, %min3A_943 : vector<16xf32>
        %min3A_945 = arith.minimumf %max3A_923, %min3A_943 : vector<16xf32>
        %max3A_946 = arith.maximumf %max3A_925, %min3A_945 : vector<16xf32>
        %min3A_947 = arith.minimumf %max3A_925, %min3A_945 : vector<16xf32>
        %max3A_948 = arith.maximumf %max3A_927, %min3A_947 : vector<16xf32>
        %min3A_949 = arith.minimumf %max3A_927, %min3A_947 : vector<16xf32>
        %max3A_950 = arith.maximumf %max3A_929, %min3A_949 : vector<16xf32>
        %min3A_951 = arith.minimumf %max3A_929, %min3A_949 : vector<16xf32>
        %add3A_952 = arith.constant 192 : i32
        %add3A_953 = vector.broadcast %add3A_952 : i32 to vector<16xi32>
        %add3A_954 = arith.addi %add3A_701, %add3A_953 : vector<16xi32>
        %gather3A_955 = tpu.vector_load_idx %arg4[%add3A_954] masked %lt3A_688 : memref<65536xf32, #tpu.memory_space<vmem>>[vector<16xi32>], vector<16xf32>, vector<16xi1>
        %select_n3A_956 = arith.select %lt3A_688, %gather3A_955, %broadcast_in_dim3A_5 : vector<16xi1>, vector<16xf32>
        %max3A_957 = arith.maximumf %max3A_936, %select_n3A_956 : vector<16xf32>
        %min3A_958 = arith.minimumf %max3A_936, %select_n3A_956 : vector<16xf32>
        %max3A_959 = arith.maximumf %max3A_938, %min3A_958 : vector<16xf32>
        %min3A_960 = arith.minimumf %max3A_938, %min3A_958 : vector<16xf32>
        %max3A_961 = arith.maximumf %max3A_940, %min3A_960 : vector<16xf32>
        %min3A_962 = arith.minimumf %max3A_940, %min3A_960 : vector<16xf32>
        %max3A_963 = arith.maximumf %max3A_942, %min3A_962 : vector<16xf32>
        %min3A_964 = arith.minimumf %max3A_942, %min3A_962 : vector<16xf32>
        %max3A_965 = arith.maximumf %max3A_944, %min3A_964 : vector<16xf32>
        %min3A_966 = arith.minimumf %max3A_944, %min3A_964 : vector<16xf32>
        %max3A_967 = arith.maximumf %max3A_946, %min3A_966 : vector<16xf32>
        %min3A_968 = arith.minimumf %max3A_946, %min3A_966 : vector<16xf32>
        %max3A_969 = arith.maximumf %max3A_948, %min3A_968 : vector<16xf32>
        %min3A_970 = arith.minimumf %max3A_948, %min3A_968 : vector<16xf32>
        %max3A_971 = arith.maximumf %max3A_950, %min3A_970 : vector<16xf32>
        %min3A_972 = arith.minimumf %max3A_950, %min3A_970 : vector<16xf32>
        %add3A_973 = arith.constant 208 : i32
        %add3A_974 = vector.broadcast %add3A_973 : i32 to vector<16xi32>
        %add3A_975 = arith.addi %add3A_701, %add3A_974 : vector<16xi32>
        %gather3A_976 = tpu.vector_load_idx %arg4[%add3A_975] masked %lt3A_688 : memref<65536xf32, #tpu.memory_space<vmem>>[vector<16xi32>], vector<16xf32>, vector<16xi1>
        %select_n3A_977 = arith.select %lt3A_688, %gather3A_976, %broadcast_in_dim3A_5 : vector<16xi1>, vector<16xf32>
        %max3A_978 = arith.maximumf %max3A_957, %select_n3A_977 : vector<16xf32>
        %min3A_979 = arith.minimumf %max3A_957, %select_n3A_977 : vector<16xf32>
        %max3A_980 = arith.maximumf %max3A_959, %min3A_979 : vector<16xf32>
        %min3A_981 = arith.minimumf %max3A_959, %min3A_979 : vector<16xf32>
        %max3A_982 = arith.maximumf %max3A_961, %min3A_981 : vector<16xf32>
        %min3A_983 = arith.minimumf %max3A_961, %min3A_981 : vector<16xf32>
        %max3A_984 = arith.maximumf %max3A_963, %min3A_983 : vector<16xf32>
        %min3A_985 = arith.minimumf %max3A_963, %min3A_983 : vector<16xf32>
        %max3A_986 = arith.maximumf %max3A_965, %min3A_985 : vector<16xf32>
        %min3A_987 = arith.minimumf %max3A_965, %min3A_985 : vector<16xf32>
        %max3A_988 = arith.maximumf %max3A_967, %min3A_987 : vector<16xf32>
        %min3A_989 = arith.minimumf %max3A_967, %min3A_987 : vector<16xf32>
        %max3A_990 = arith.maximumf %max3A_969, %min3A_989 : vector<16xf32>
        %min3A_991 = arith.minimumf %max3A_969, %min3A_989 : vector<16xf32>
        %max3A_992 = arith.maximumf %max3A_971, %min3A_991 : vector<16xf32>
        %min3A_993 = arith.minimumf %max3A_971, %min3A_991 : vector<16xf32>
        %add3A_994 = arith.constant 224 : i32
        %add3A_995 = vector.broadcast %add3A_994 : i32 to vector<16xi32>
        %add3A_996 = arith.addi %add3A_701, %add3A_995 : vector<16xi32>
        %gather3A_997 = tpu.vector_load_idx %arg4[%add3A_996] masked %lt3A_688 : memref<65536xf32, #tpu.memory_space<vmem>>[vector<16xi32>], vector<16xf32>, vector<16xi1>
        %select_n3A_998 = arith.select %lt3A_688, %gather3A_997, %broadcast_in_dim3A_5 : vector<16xi1>, vector<16xf32>
        %max3A_999 = arith.maximumf %max3A_978, %select_n3A_998 : vector<16xf32>
        %min3A_1000 = arith.minimumf %max3A_978, %select_n3A_998 : vector<16xf32>
        %max3A_1001 = arith.maximumf %max3A_980, %min3A_1000 : vector<16xf32>
        %min3A_1002 = arith.minimumf %max3A_980, %min3A_1000 : vector<16xf32>
        %max3A_1003 = arith.maximumf %max3A_982, %min3A_1002 : vector<16xf32>
        %min3A_1004 = arith.minimumf %max3A_982, %min3A_1002 : vector<16xf32>
        %max3A_1005 = arith.maximumf %max3A_984, %min3A_1004 : vector<16xf32>
        %min3A_1006 = arith.minimumf %max3A_984, %min3A_1004 : vector<16xf32>
        %max3A_1007 = arith.maximumf %max3A_986, %min3A_1006 : vector<16xf32>
        %min3A_1008 = arith.minimumf %max3A_986, %min3A_1006 : vector<16xf32>
        %max3A_1009 = arith.maximumf %max3A_988, %min3A_1008 : vector<16xf32>
        %min3A_1010 = arith.minimumf %max3A_988, %min3A_1008 : vector<16xf32>
        %max3A_1011 = arith.maximumf %max3A_990, %min3A_1010 : vector<16xf32>
        %min3A_1012 = arith.minimumf %max3A_990, %min3A_1010 : vector<16xf32>
        %max3A_1013 = arith.maximumf %max3A_992, %min3A_1012 : vector<16xf32>
        %min3A_1014 = arith.minimumf %max3A_992, %min3A_1012 : vector<16xf32>
        %add3A_1015 = arith.constant 240 : i32
        %add3A_1016 = vector.broadcast %add3A_1015 : i32 to vector<16xi32>
        %add3A_1017 = arith.addi %add3A_701, %add3A_1016 : vector<16xi32>
        %gather3A_1018 = tpu.vector_load_idx %arg4[%add3A_1017] masked %lt3A_688 : memref<65536xf32, #tpu.memory_space<vmem>>[vector<16xi32>], vector<16xf32>, vector<16xi1>
        %select_n3A_1019 = arith.select %lt3A_688, %gather3A_1018, %broadcast_in_dim3A_5 : vector<16xi1>, vector<16xf32>
        %max3A_1020 = arith.maximumf %max3A_999, %select_n3A_1019 : vector<16xf32>
        %min3A_1021 = arith.minimumf %max3A_999, %select_n3A_1019 : vector<16xf32>
        %max3A_1022 = arith.maximumf %max3A_1001, %min3A_1021 : vector<16xf32>
        %min3A_1023 = arith.minimumf %max3A_1001, %min3A_1021 : vector<16xf32>
        %max3A_1024 = arith.maximumf %max3A_1003, %min3A_1023 : vector<16xf32>
        %min3A_1025 = arith.minimumf %max3A_1003, %min3A_1023 : vector<16xf32>
        %max3A_1026 = arith.maximumf %max3A_1005, %min3A_1025 : vector<16xf32>
        %min3A_1027 = arith.minimumf %max3A_1005, %min3A_1025 : vector<16xf32>
        %max3A_1028 = arith.maximumf %max3A_1007, %min3A_1027 : vector<16xf32>
        %min3A_1029 = arith.minimumf %max3A_1007, %min3A_1027 : vector<16xf32>
        %max3A_1030 = arith.maximumf %max3A_1009, %min3A_1029 : vector<16xf32>
        %min3A_1031 = arith.minimumf %max3A_1009, %min3A_1029 : vector<16xf32>
        %max3A_1032 = arith.maximumf %max3A_1011, %min3A_1031 : vector<16xf32>
        %min3A_1033 = arith.minimumf %max3A_1011, %min3A_1031 : vector<16xf32>
        %max3A_1034 = arith.maximumf %max3A_1013, %min3A_1033 : vector<16xf32>
        %min3A_1035 = arith.minimumf %max3A_1013, %min3A_1033 : vector<16xf32>
        %add3A_1036 = arith.constant 1 : i32
        %add3A_1037 = arith.addi %while3A_674, %add3A_1036 : i32
        scf.yield %add3A_1037, %max3A_1020, %max3A_1022, %max3A_1024, %max3A_1026, %max3A_1028, %max3A_1030, %max3A_1032, %max3A_1034 : i32, vector<16xf32>, vector<16xf32>, vector<16xf32>, vector<16xf32>, vector<16xf32>, vector<16xf32>, vector<16xf32>, vector<16xf32>
      }
      %masked_sort3A_567 = arith.constant dense<true> : vector<16xi1>
      %masked_sort3A_568, %masked_sort3A_569, %masked_sort3A_570 = tpu.sort %while3A_566#1, %while3A_566#1 masked %masked_sort3A_567 {descending = true} : (vector<16xf32>, vector<16xf32>, vector<16xi1>) -> (vector<16xi1>, vector<16xf32>, vector<16xf32>)
      %masked_sort3A_571 = arith.constant dense<true> : vector<16xi1>
      %masked_sort3A_572, %masked_sort3A_573, %masked_sort3A_574 = tpu.sort %while3A_566#2, %while3A_566#2 masked %masked_sort3A_571 {descending = true} : (vector<16xf32>, vector<16xf32>, vector<16xi1>) -> (vector<16xi1>, vector<16xf32>, vector<16xf32>)
      %masked_sort3A_575 = arith.constant dense<true> : vector<16xi1>
      %masked_sort3A_576, %masked_sort3A_577, %masked_sort3A_578 = tpu.sort %while3A_566#3, %while3A_566#3 masked %masked_sort3A_575 {descending = true} : (vector<16xf32>, vector<16xf32>, vector<16xi1>) -> (vector<16xi1>, vector<16xf32>, vector<16xf32>)
      %masked_sort3A_579 = arith.constant dense<true> : vector<16xi1>
      %masked_sort3A_580, %masked_sort3A_581, %masked_sort3A_582 = tpu.sort %while3A_566#4, %while3A_566#4 masked %masked_sort3A_579 {descending = true} : (vector<16xf32>, vector<16xf32>, vector<16xi1>) -> (vector<16xi1>, vector<16xf32>, vector<16xf32>)
      %masked_sort3A_583 = arith.constant dense<true> : vector<16xi1>
      %masked_sort3A_584, %masked_sort3A_585, %masked_sort3A_586 = tpu.sort %while3A_566#5, %while3A_566#5 masked %masked_sort3A_583 {descending = true} : (vector<16xf32>, vector<16xf32>, vector<16xi1>) -> (vector<16xi1>, vector<16xf32>, vector<16xf32>)
      %masked_sort3A_587 = arith.constant dense<true> : vector<16xi1>
      %masked_sort3A_588, %masked_sort3A_589, %masked_sort3A_590 = tpu.sort %while3A_566#6, %while3A_566#6 masked %masked_sort3A_587 {descending = true} : (vector<16xf32>, vector<16xf32>, vector<16xi1>) -> (vector<16xi1>, vector<16xf32>, vector<16xf32>)
      %masked_sort3A_591 = arith.constant dense<true> : vector<16xi1>
      %masked_sort3A_592, %masked_sort3A_593, %masked_sort3A_594 = tpu.sort %while3A_566#7, %while3A_566#7 masked %masked_sort3A_591 {descending = true} : (vector<16xf32>, vector<16xf32>, vector<16xi1>) -> (vector<16xi1>, vector<16xf32>, vector<16xf32>)
      %masked_sort3A_595 = arith.constant dense<true> : vector<16xi1>
      %masked_sort3A_596, %masked_sort3A_597, %masked_sort3A_598 = tpu.sort %while3A_566#8, %while3A_566#8 masked %masked_sort3A_595 {descending = true} : (vector<16xf32>, vector<16xf32>, vector<16xi1>) -> (vector<16xi1>, vector<16xf32>, vector<16xf32>)
      %rev3A = arith.constant 15 : i32
      %rev3A_599 = vector.broadcast %rev3A : i32 to vector<16xi32>
      %rev3A_600 = tpu.iota {dimensions = array<i32: 0>} : vector<16xi32>
      %rev3A_601 = arith.subi %rev3A_599, %rev3A_600 : vector<16xi32>
      %rev3A_602 = tpu.dynamic_gather %masked_sort3A_573[%rev3A_601] in [0] : vector<16xf32>, vector<16xi32> -> vector<16xf32>
      %max3A = arith.maximumf %masked_sort3A_569, %rev3A_602 : vector<16xf32>
      %masked_sort3A_603 = arith.constant dense<true> : vector<16xi1>
      %masked_sort3A_604, %masked_sort3A_605, %masked_sort3A_606 = tpu.sort %max3A, %max3A masked %masked_sort3A_603 {descending = true} : (vector<16xf32>, vector<16xf32>, vector<16xi1>) -> (vector<16xi1>, vector<16xf32>, vector<16xf32>)
      %rev3A_607 = arith.constant 15 : i32
      %rev3A_608 = vector.broadcast %rev3A_607 : i32 to vector<16xi32>
      %rev3A_609 = tpu.iota {dimensions = array<i32: 0>} : vector<16xi32>
      %rev3A_610 = arith.subi %rev3A_608, %rev3A_609 : vector<16xi32>
      %rev3A_611 = tpu.dynamic_gather %masked_sort3A_581[%rev3A_610] in [0] : vector<16xf32>, vector<16xi32> -> vector<16xf32>
      %max3A_612 = arith.maximumf %masked_sort3A_577, %rev3A_611 : vector<16xf32>
      %masked_sort3A_613 = arith.constant dense<true> : vector<16xi1>
      %masked_sort3A_614, %masked_sort3A_615, %masked_sort3A_616 = tpu.sort %max3A_612, %max3A_612 masked %masked_sort3A_613 {descending = true} : (vector<16xf32>, vector<16xf32>, vector<16xi1>) -> (vector<16xi1>, vector<16xf32>, vector<16xf32>)
      %rev3A_617 = arith.constant 15 : i32
      %rev3A_618 = vector.broadcast %rev3A_617 : i32 to vector<16xi32>
      %rev3A_619 = tpu.iota {dimensions = array<i32: 0>} : vector<16xi32>
      %rev3A_620 = arith.subi %rev3A_618, %rev3A_619 : vector<16xi32>
      %rev3A_621 = tpu.dynamic_gather %masked_sort3A_589[%rev3A_620] in [0] : vector<16xf32>, vector<16xi32> -> vector<16xf32>
      %max3A_622 = arith.maximumf %masked_sort3A_585, %rev3A_621 : vector<16xf32>
      %masked_sort3A_623 = arith.constant dense<true> : vector<16xi1>
      %masked_sort3A_624, %masked_sort3A_625, %masked_sort3A_626 = tpu.sort %max3A_622, %max3A_622 masked %masked_sort3A_623 {descending = true} : (vector<16xf32>, vector<16xf32>, vector<16xi1>) -> (vector<16xi1>, vector<16xf32>, vector<16xf32>)
      %rev3A_627 = arith.constant 15 : i32
      %rev3A_628 = vector.broadcast %rev3A_627 : i32 to vector<16xi32>
      %rev3A_629 = tpu.iota {dimensions = array<i32: 0>} : vector<16xi32>
      %rev3A_630 = arith.subi %rev3A_628, %rev3A_629 : vector<16xi32>
      %rev3A_631 = tpu.dynamic_gather %masked_sort3A_597[%rev3A_630] in [0] : vector<16xf32>, vector<16xi32> -> vector<16xf32>
      %max3A_632 = arith.maximumf %masked_sort3A_593, %rev3A_631 : vector<16xf32>
      %masked_sort3A_633 = arith.constant dense<true> : vector<16xi1>
      %masked_sort3A_634, %masked_sort3A_635, %masked_sort3A_636 = tpu.sort %max3A_632, %max3A_632 masked %masked_sort3A_633 {descending = true} : (vector<16xf32>, vector<16xf32>, vector<16xi1>) -> (vector<16xi1>, vector<16xf32>, vector<16xf32>)
      %rev3A_637 = arith.constant 15 : i32
      %rev3A_638 = vector.broadcast %rev3A_637 : i32 to vector<16xi32>
      %rev3A_639 = tpu.iota {dimensions = array<i32: 0>} : vector<16xi32>
      %rev3A_640 = arith.subi %rev3A_638, %rev3A_639 : vector<16xi32>
      %rev3A_641 = tpu.dynamic_gather %masked_sort3A_615[%rev3A_640] in [0] : vector<16xf32>, vector<16xi32> -> vector<16xf32>
      %max3A_642 = arith.maximumf %masked_sort3A_605, %rev3A_641 : vector<16xf32>
      %masked_sort3A_643 = arith.constant dense<true> : vector<16xi1>
      %masked_sort3A_644, %masked_sort3A_645, %masked_sort3A_646 = tpu.sort %max3A_642, %max3A_642 masked %masked_sort3A_643 {descending = true} : (vector<16xf32>, vector<16xf32>, vector<16xi1>) -> (vector<16xi1>, vector<16xf32>, vector<16xf32>)
      %rev3A_647 = arith.constant 15 : i32
      %rev3A_648 = vector.broadcast %rev3A_647 : i32 to vector<16xi32>
      %rev3A_649 = tpu.iota {dimensions = array<i32: 0>} : vector<16xi32>
      %rev3A_650 = arith.subi %rev3A_648, %rev3A_649 : vector<16xi32>
      %rev3A_651 = tpu.dynamic_gather %masked_sort3A_635[%rev3A_650] in [0] : vector<16xf32>, vector<16xi32> -> vector<16xf32>
      %max3A_652 = arith.maximumf %masked_sort3A_625, %rev3A_651 : vector<16xf32>
      %masked_sort3A_653 = arith.constant dense<true> : vector<16xi1>
      %masked_sort3A_654, %masked_sort3A_655, %masked_sort3A_656 = tpu.sort %max3A_652, %max3A_652 masked %masked_sort3A_653 {descending = true} : (vector<16xf32>, vector<16xf32>, vector<16xi1>) -> (vector<16xi1>, vector<16xf32>, vector<16xf32>)
      %rev3A_657 = arith.constant 15 : i32
      %rev3A_658 = vector.broadcast %rev3A_657 : i32 to vector<16xi32>
      %rev3A_659 = tpu.iota {dimensions = array<i32: 0>} : vector<16xi32>
      %rev3A_660 = arith.subi %rev3A_658, %rev3A_659 : vector<16xi32>
      %rev3A_661 = tpu.dynamic_gather %masked_sort3A_655[%rev3A_660] in [0] : vector<16xf32>, vector<16xi32> -> vector<16xf32>
      %max3A_662 = arith.maximumf %masked_sort3A_645, %rev3A_661 : vector<16xf32>
      %masked_sort3A_663 = arith.constant dense<true> : vector<16xi1>
      %masked_sort3A_664, %masked_sort3A_665, %masked_sort3A_666 = tpu.sort %max3A_662, %max3A_662 masked %masked_sort3A_663 {descending = true} : (vector<16xf32>, vector<16xf32>, vector<16xi1>) -> (vector<16xi1>, vector<16xf32>, vector<16xf32>)
      %mul3A_667 = arith.constant 8 : i32
      %mul3A_668 = arith.muli %scan3A_98, %mul3A_667 : i32
      %lt3A_669 = arith.constant 8 : i32
      %lt3A_670 = vector.broadcast %lt3A_669 : i32 to vector<16xi32>
      %lt3A_671 = arith.cmpi slt, %iota3A, %lt3A_670 : vector<16xi32>
      %swap3A_672 = arith.index_cast %mul3A_668 : i32 to index
      %swap3A_673 = tpu.vector_load %arg7[%swap3A_672] masked %lt3A_671 {strides = array<i32>} : memref<208xf32, #tpu.memory_space<vmem>>, vector<16xf32>, vector<16xi1>
      tpu.vector_store %arg7[%swap3A_672], %masked_sort3A_665 masked %lt3A_671 {strides = array<i32>} : memref<208xf32, #tpu.memory_space<vmem>>, vector<16xf32>, vector<16xi1>
    }
    %scan3A_93 = arith.constant 24 : i32
    %mul3A_94 = arith.constant 24 : i32
    %mul3A_95 = arith.muli %add3A, %mul3A_94 : i32
    %mul3A_96 = arith.constant 8 : i32
    %mul3A_97 = arith.muli %mul3A_95, %mul3A_96 : i32
    "tpu.region"() ({
      %run_scoped3A = tpu.sem_alloc : memref<!tpu.dma_semaphore, #tpu.memory_space<semaphore_mem>>
      %dma_start3A_98 = arith.constant 0 : i32
      %dma_start3A_99 = tpu.memref_slice %arg7[%dma_start3A_98] : memref<208xf32, #tpu.memory_space<vmem>> -> memref<192xf32, #tpu.memory_space<vmem>>
      %dma_start3A_100 = tpu.memref_slice %arg3[%mul3A_97] : memref<6144xf32, #tpu.memory_space<hbm>> -> memref<192xf32, #tpu.memory_space<hbm>>
      %dma_start3A_101 = tpu.memref_slice %arg3[%mul3A_97] : memref<6144xf32, #tpu.memory_space<hbm>> -> memref<192xf32, #tpu.memory_space<hbm>>
      %dma_start3A_102 = arith.constant 0 : i32
      %dma_start3A_103 = tpu.memref_slice %arg7[%dma_start3A_102] : memref<208xf32, #tpu.memory_space<vmem>> -> memref<192xf32, #tpu.memory_space<vmem>>
      tpu.enqueue_dma source(%dma_start3A_103 : memref<192xf32, #tpu.memory_space<vmem>>) target(%dma_start3A_101 : memref<192xf32, #tpu.memory_space<hbm>>) target_semaphore(%run_scoped3A : memref<!tpu.dma_semaphore, #tpu.memory_space<semaphore_mem>>)
      %dma_wait3A = arith.constant 0 : i32
      %dma_wait3A_104 = tpu.memref_slice %arg7[%dma_wait3A] : memref<208xf32, #tpu.memory_space<vmem>> -> memref<192xf32, #tpu.memory_space<vmem>>
      %dma_wait3A_105 = tpu.memref_slice %arg3[%mul3A_97] : memref<6144xf32, #tpu.memory_space<hbm>> -> memref<192xf32, #tpu.memory_space<hbm>>
      %dma_wait3A_106 = tpu.memref_slice %arg3[%mul3A_97] : memref<6144xf32, #tpu.memory_space<hbm>> -> memref<192xf32, #tpu.memory_space<hbm>>
      %dma_wait3A_107 = arith.constant 0 : i32
      %dma_wait3A_108 = tpu.memref_slice %arg7[%dma_wait3A_107] : memref<208xf32, #tpu.memory_space<vmem>> -> memref<192xf32, #tpu.memory_space<vmem>>
      tpu.wait_dma2 semaphore(%run_scoped3A : memref<!tpu.dma_semaphore, #tpu.memory_space<semaphore_mem>>) src(%dma_wait3A_108 : memref<192xf32, #tpu.memory_space<vmem>>) dst(%dma_wait3A_106 : memref<192xf32, #tpu.memory_space<hbm>>)
      tpu.yield
    }) : () -> ()
    return
  }
}

module attributes {stable_mosaic.version = 14 : i64} {
  func.func @_tc_body(%arg0: i32, %arg1: memref<1x32x8192xf32, #tpu.memory_space<vmem>>, %arg2: memref<1x32x8xf32, #tpu.memory_space<vmem>>) attributes {dimension_semantics = [#tpu.dimension_semantics<arbitrary>], iteration_bounds = array<i64: 8>, scalar_prefetch = 0 : i64, scratch_operands = 0 : i64, tpu.core_type = #tpu.core_type<tc>, window_params = [{transform_indices = @transform_0, window_bounds = array<i64: 1, 32, 8192>}, {transform_indices = @transform_1, window_bounds = array<i64: 1, 32, 8>}]} {
    %get3A = arith.constant 0 : index
    %get3A_0 = arith.constant 0 : index
    %get3A_1 = arith.constant 0 : index
    %get3A_2 = vector.load %arg1[%get3A, %get3A_0, %get3A_1] : memref<1x32x8192xf32, #tpu.memory_space<vmem>>, vector<1x32x8192xf32>
    %get3A_3 = vector.shape_cast %get3A_2 : vector<1x32x8192xf32> to vector<32x8192xf32>
    %iota3A = tpu.iota {dimensions = array<i32: 1>} : vector<32x8192xi32>
    %reduce_max3A = arith.constant dense<0xFF800000> : vector<32xf32>
    %reduce_max3A_4 = vector.multi_reduction <maximumf>, %get3A_3, %reduce_max3A [1] : vector<32x8192xf32> to vector<32xf32>
    %broadcast_in_dim3A = vector.shape_cast %reduce_max3A_4 : vector<32xf32> to vector<32x1xf32>
    %eq3A = vector.broadcast %broadcast_in_dim3A : vector<32x1xf32> to vector<32x8192xf32>
    %eq3A_5 = arith.cmpf oeq, %get3A_3, %eq3A : vector<32x8192xf32>
    %jit3A = arith.constant 8192 : i32
    %broadcast_in_dim3A_6 = vector.broadcast %jit3A : i32 to vector<32x8192xi32>
    %select_n3A = arith.select %eq3A_5, %iota3A, %broadcast_in_dim3A_6 : vector<32x8192xi1>, vector<32x8192xi32>
    %reduce_min3A = arith.constant dense<2147483647> : vector<32xi32>
    %reduce_min3A_7 = vector.multi_reduction <minsi>, %select_n3A, %reduce_min3A [1] : vector<32x8192xi32> to vector<32xi32>
    %broadcast_in_dim3A_8 = vector.shape_cast %reduce_min3A_7 : vector<32xi32> to vector<32x1xi32>
    %eq3A_9 = vector.broadcast %broadcast_in_dim3A_8 : vector<32x1xi32> to vector<32x8192xi32>
    %eq3A_10 = arith.cmpi eq, %iota3A, %eq3A_9 : vector<32x8192xi32>
    %jit3A_11 = arith.constant 0xFF800000 : f32
    %broadcast_in_dim3A_12 = vector.broadcast %jit3A_11 : f32 to vector<32x8192xf32>
    %select_n3A_13 = arith.select %eq3A_10, %broadcast_in_dim3A_12, %get3A_3 : vector<32x8192xi1>, vector<32x8192xf32>
    %reduce_max3A_14 = arith.constant dense<0xFF800000> : vector<32xf32>
    %reduce_max3A_15 = vector.multi_reduction <maximumf>, %select_n3A_13, %reduce_max3A_14 [1] : vector<32x8192xf32> to vector<32xf32>
    %broadcast_in_dim3A_16 = vector.shape_cast %reduce_max3A_15 : vector<32xf32> to vector<32x1xf32>
    %eq3A_17 = vector.broadcast %broadcast_in_dim3A_16 : vector<32x1xf32> to vector<32x8192xf32>
    %eq3A_18 = arith.cmpf oeq, %select_n3A_13, %eq3A_17 : vector<32x8192xf32>
    %jit3A_19 = arith.constant 8192 : i32
    %broadcast_in_dim3A_20 = vector.broadcast %jit3A_19 : i32 to vector<32x8192xi32>
    %select_n3A_21 = arith.select %eq3A_18, %iota3A, %broadcast_in_dim3A_20 : vector<32x8192xi1>, vector<32x8192xi32>
    %reduce_min3A_22 = arith.constant dense<2147483647> : vector<32xi32>
    %reduce_min3A_23 = vector.multi_reduction <minsi>, %select_n3A_21, %reduce_min3A_22 [1] : vector<32x8192xi32> to vector<32xi32>
    %broadcast_in_dim3A_24 = vector.shape_cast %reduce_min3A_23 : vector<32xi32> to vector<32x1xi32>
    %eq3A_25 = vector.broadcast %broadcast_in_dim3A_24 : vector<32x1xi32> to vector<32x8192xi32>
    %eq3A_26 = arith.cmpi eq, %iota3A, %eq3A_25 : vector<32x8192xi32>
    %jit3A_27 = arith.constant 0xFF800000 : f32
    %broadcast_in_dim3A_28 = vector.broadcast %jit3A_27 : f32 to vector<32x8192xf32>
    %select_n3A_29 = arith.select %eq3A_26, %broadcast_in_dim3A_28, %select_n3A_13 : vector<32x8192xi1>, vector<32x8192xf32>
    %reduce_max3A_30 = arith.constant dense<0xFF800000> : vector<32xf32>
    %reduce_max3A_31 = vector.multi_reduction <maximumf>, %select_n3A_29, %reduce_max3A_30 [1] : vector<32x8192xf32> to vector<32xf32>
    %broadcast_in_dim3A_32 = vector.shape_cast %reduce_max3A_31 : vector<32xf32> to vector<32x1xf32>
    %eq3A_33 = vector.broadcast %broadcast_in_dim3A_32 : vector<32x1xf32> to vector<32x8192xf32>
    %eq3A_34 = arith.cmpf oeq, %select_n3A_29, %eq3A_33 : vector<32x8192xf32>
    %jit3A_35 = arith.constant 8192 : i32
    %broadcast_in_dim3A_36 = vector.broadcast %jit3A_35 : i32 to vector<32x8192xi32>
    %select_n3A_37 = arith.select %eq3A_34, %iota3A, %broadcast_in_dim3A_36 : vector<32x8192xi1>, vector<32x8192xi32>
    %reduce_min3A_38 = arith.constant dense<2147483647> : vector<32xi32>
    %reduce_min3A_39 = vector.multi_reduction <minsi>, %select_n3A_37, %reduce_min3A_38 [1] : vector<32x8192xi32> to vector<32xi32>
    %broadcast_in_dim3A_40 = vector.shape_cast %reduce_min3A_39 : vector<32xi32> to vector<32x1xi32>
    %eq3A_41 = vector.broadcast %broadcast_in_dim3A_40 : vector<32x1xi32> to vector<32x8192xi32>
    %eq3A_42 = arith.cmpi eq, %iota3A, %eq3A_41 : vector<32x8192xi32>
    %jit3A_43 = arith.constant 0xFF800000 : f32
    %broadcast_in_dim3A_44 = vector.broadcast %jit3A_43 : f32 to vector<32x8192xf32>
    %select_n3A_45 = arith.select %eq3A_42, %broadcast_in_dim3A_44, %select_n3A_29 : vector<32x8192xi1>, vector<32x8192xf32>
    %reduce_max3A_46 = arith.constant dense<0xFF800000> : vector<32xf32>
    %reduce_max3A_47 = vector.multi_reduction <maximumf>, %select_n3A_45, %reduce_max3A_46 [1] : vector<32x8192xf32> to vector<32xf32>
    %broadcast_in_dim3A_48 = vector.shape_cast %reduce_max3A_47 : vector<32xf32> to vector<32x1xf32>
    %eq3A_49 = vector.broadcast %broadcast_in_dim3A_48 : vector<32x1xf32> to vector<32x8192xf32>
    %eq3A_50 = arith.cmpf oeq, %select_n3A_45, %eq3A_49 : vector<32x8192xf32>
    %jit3A_51 = arith.constant 8192 : i32
    %broadcast_in_dim3A_52 = vector.broadcast %jit3A_51 : i32 to vector<32x8192xi32>
    %select_n3A_53 = arith.select %eq3A_50, %iota3A, %broadcast_in_dim3A_52 : vector<32x8192xi1>, vector<32x8192xi32>
    %reduce_min3A_54 = arith.constant dense<2147483647> : vector<32xi32>
    %reduce_min3A_55 = vector.multi_reduction <minsi>, %select_n3A_53, %reduce_min3A_54 [1] : vector<32x8192xi32> to vector<32xi32>
    %broadcast_in_dim3A_56 = vector.shape_cast %reduce_min3A_55 : vector<32xi32> to vector<32x1xi32>
    %eq3A_57 = vector.broadcast %broadcast_in_dim3A_56 : vector<32x1xi32> to vector<32x8192xi32>
    %eq3A_58 = arith.cmpi eq, %iota3A, %eq3A_57 : vector<32x8192xi32>
    %jit3A_59 = arith.constant 0xFF800000 : f32
    %broadcast_in_dim3A_60 = vector.broadcast %jit3A_59 : f32 to vector<32x8192xf32>
    %select_n3A_61 = arith.select %eq3A_58, %broadcast_in_dim3A_60, %select_n3A_45 : vector<32x8192xi1>, vector<32x8192xf32>
    %reduce_max3A_62 = arith.constant dense<0xFF800000> : vector<32xf32>
    %reduce_max3A_63 = vector.multi_reduction <maximumf>, %select_n3A_61, %reduce_max3A_62 [1] : vector<32x8192xf32> to vector<32xf32>
    %broadcast_in_dim3A_64 = vector.shape_cast %reduce_max3A_63 : vector<32xf32> to vector<32x1xf32>
    %eq3A_65 = vector.broadcast %broadcast_in_dim3A_64 : vector<32x1xf32> to vector<32x8192xf32>
    %eq3A_66 = arith.cmpf oeq, %select_n3A_61, %eq3A_65 : vector<32x8192xf32>
    %jit3A_67 = arith.constant 8192 : i32
    %broadcast_in_dim3A_68 = vector.broadcast %jit3A_67 : i32 to vector<32x8192xi32>
    %select_n3A_69 = arith.select %eq3A_66, %iota3A, %broadcast_in_dim3A_68 : vector<32x8192xi1>, vector<32x8192xi32>
    %reduce_min3A_70 = arith.constant dense<2147483647> : vector<32xi32>
    %reduce_min3A_71 = vector.multi_reduction <minsi>, %select_n3A_69, %reduce_min3A_70 [1] : vector<32x8192xi32> to vector<32xi32>
    %broadcast_in_dim3A_72 = vector.shape_cast %reduce_min3A_71 : vector<32xi32> to vector<32x1xi32>
    %eq3A_73 = vector.broadcast %broadcast_in_dim3A_72 : vector<32x1xi32> to vector<32x8192xi32>
    %eq3A_74 = arith.cmpi eq, %iota3A, %eq3A_73 : vector<32x8192xi32>
    %jit3A_75 = arith.constant 0xFF800000 : f32
    %broadcast_in_dim3A_76 = vector.broadcast %jit3A_75 : f32 to vector<32x8192xf32>
    %select_n3A_77 = arith.select %eq3A_74, %broadcast_in_dim3A_76, %select_n3A_61 : vector<32x8192xi1>, vector<32x8192xf32>
    %reduce_max3A_78 = arith.constant dense<0xFF800000> : vector<32xf32>
    %reduce_max3A_79 = vector.multi_reduction <maximumf>, %select_n3A_77, %reduce_max3A_78 [1] : vector<32x8192xf32> to vector<32xf32>
    %broadcast_in_dim3A_80 = vector.shape_cast %reduce_max3A_79 : vector<32xf32> to vector<32x1xf32>
    %eq3A_81 = vector.broadcast %broadcast_in_dim3A_80 : vector<32x1xf32> to vector<32x8192xf32>
    %eq3A_82 = arith.cmpf oeq, %select_n3A_77, %eq3A_81 : vector<32x8192xf32>
    %jit3A_83 = arith.constant 8192 : i32
    %broadcast_in_dim3A_84 = vector.broadcast %jit3A_83 : i32 to vector<32x8192xi32>
    %select_n3A_85 = arith.select %eq3A_82, %iota3A, %broadcast_in_dim3A_84 : vector<32x8192xi1>, vector<32x8192xi32>
    %reduce_min3A_86 = arith.constant dense<2147483647> : vector<32xi32>
    %reduce_min3A_87 = vector.multi_reduction <minsi>, %select_n3A_85, %reduce_min3A_86 [1] : vector<32x8192xi32> to vector<32xi32>
    %broadcast_in_dim3A_88 = vector.shape_cast %reduce_min3A_87 : vector<32xi32> to vector<32x1xi32>
    %eq3A_89 = vector.broadcast %broadcast_in_dim3A_88 : vector<32x1xi32> to vector<32x8192xi32>
    %eq3A_90 = arith.cmpi eq, %iota3A, %eq3A_89 : vector<32x8192xi32>
    %jit3A_91 = arith.constant 0xFF800000 : f32
    %broadcast_in_dim3A_92 = vector.broadcast %jit3A_91 : f32 to vector<32x8192xf32>
    %select_n3A_93 = arith.select %eq3A_90, %broadcast_in_dim3A_92, %select_n3A_77 : vector<32x8192xi1>, vector<32x8192xf32>
    %reduce_max3A_94 = arith.constant dense<0xFF800000> : vector<32xf32>
    %reduce_max3A_95 = vector.multi_reduction <maximumf>, %select_n3A_93, %reduce_max3A_94 [1] : vector<32x8192xf32> to vector<32xf32>
    %broadcast_in_dim3A_96 = vector.shape_cast %reduce_max3A_95 : vector<32xf32> to vector<32x1xf32>
    %eq3A_97 = vector.broadcast %broadcast_in_dim3A_96 : vector<32x1xf32> to vector<32x8192xf32>
    %eq3A_98 = arith.cmpf oeq, %select_n3A_93, %eq3A_97 : vector<32x8192xf32>
    %jit3A_99 = arith.constant 8192 : i32
    %broadcast_in_dim3A_100 = vector.broadcast %jit3A_99 : i32 to vector<32x8192xi32>
    %select_n3A_101 = arith.select %eq3A_98, %iota3A, %broadcast_in_dim3A_100 : vector<32x8192xi1>, vector<32x8192xi32>
    %reduce_min3A_102 = arith.constant dense<2147483647> : vector<32xi32>
    %reduce_min3A_103 = vector.multi_reduction <minsi>, %select_n3A_101, %reduce_min3A_102 [1] : vector<32x8192xi32> to vector<32xi32>
    %broadcast_in_dim3A_104 = vector.shape_cast %reduce_min3A_103 : vector<32xi32> to vector<32x1xi32>
    %eq3A_105 = vector.broadcast %broadcast_in_dim3A_104 : vector<32x1xi32> to vector<32x8192xi32>
    %eq3A_106 = arith.cmpi eq, %iota3A, %eq3A_105 : vector<32x8192xi32>
    %jit3A_107 = arith.constant 0xFF800000 : f32
    %broadcast_in_dim3A_108 = vector.broadcast %jit3A_107 : f32 to vector<32x8192xf32>
    %select_n3A_109 = arith.select %eq3A_106, %broadcast_in_dim3A_108, %select_n3A_93 : vector<32x8192xi1>, vector<32x8192xf32>
    %reduce_max3A_110 = arith.constant dense<0xFF800000> : vector<32xf32>
    %reduce_max3A_111 = vector.multi_reduction <maximumf>, %select_n3A_109, %reduce_max3A_110 [1] : vector<32x8192xf32> to vector<32xf32>
    %broadcast_in_dim3A_112 = vector.shape_cast %reduce_max3A_111 : vector<32xf32> to vector<32x1xf32>
    %concatenate3A = tpu.concatenate %broadcast_in_dim3A, %broadcast_in_dim3A_16, %broadcast_in_dim3A_32, %broadcast_in_dim3A_48, %broadcast_in_dim3A_64, %broadcast_in_dim3A_80, %broadcast_in_dim3A_96, %broadcast_in_dim3A_112 in 1 : vector<32x1xf32>, vector<32x1xf32>, vector<32x1xf32>, vector<32x1xf32>, vector<32x1xf32>, vector<32x1xf32>, vector<32x1xf32>, vector<32x1xf32> -> vector<32x8xf32>
    %swap3A = arith.constant 0 : index
    %swap3A_113 = arith.constant 0 : index
    %swap3A_114 = arith.constant 0 : index
    %swap3A_115 = vector.load %arg2[%swap3A, %swap3A_113, %swap3A_114] : memref<1x32x8xf32, #tpu.memory_space<vmem>>, vector<1x32x8xf32>
    %swap3A_116 = vector.shape_cast %swap3A_115 : vector<1x32x8xf32> to vector<32x8xf32>
    %swap3A_117 = vector.shape_cast %concatenate3A : vector<32x8xf32> to vector<1x32x8xf32>
    tpu.vector_store %arg2[%swap3A, %swap3A_113, %swap3A_114], %swap3A_117 {strides = array<i32>} : memref<1x32x8xf32, #tpu.memory_space<vmem>>, vector<1x32x8xf32>,
    return
  }
  func.func @transform_0(%arg0: i32) -> (i32, i32, i32) {
    %c0_i32 = arith.constant 0 : i32
    %c0_i32_0 = arith.constant 0 : i32
    %c0_i32_1 = arith.constant 0 : i32
    return %arg0, %c0_i32, %c0_i32_0 : i32, i32, i32
  }
  func.func @transform_1(%arg0: i32) -> (i32, i32, i32) {
    %c0_i32 = arith.constant 0 : i32
    %c0_i32_0 = arith.constant 0 : i32
    %c0_i32_1 = arith.constant 0 : i32
    return %arg0, %c0_i32, %c0_i32_0 : i32, i32, i32
  }
}

</mosaic_0001>

<sc_bundles>
// kernel: kernel.4.cloned.1.call-start
scs
__scs_entry_jumppad:
0x0: {  	(pc) =	sbr.rel $0x88, $3  }
0x1: {  	(tag) =	ssettag $0x0;
	lr =	simm.s32 $0x1  }
0x2: {  	[smem:$0x3FA0] =	sst lr;
	_ =	strace $0xD0000000  }
0x3: {  	_ = 	snop  }
0x4: {  	_ = 	snop  }
0x5: {  	_ = 	snop  }
0x6: {  	_ = 	snop  }
0x7: {  	_ = 	snop  }
__scs_overlays_trampoline_lowered:
0x8: {  	[smem:$0x3FAF] =	sst s0  }
0x9: {  	[smem:$0x3FB0] =	sst s1  }
0xa: {  	[smem:$0x3FB1] =	sst s2  }
0xb: {  	[smem:$0x3FB2] =	sst s3  }
0xc: {  	[smem:$0x3FB3] =	sst s4  }
0xd: {  	[smem:$0x3FB4] =	sst s5  }
0xe: {  	[smem:$0x3FB5] =	sst s6  }
0xf: {  	[smem:$0x3FB6] =	sst s7  }
0x10: {  	[smem:$0x3FB7] =	sst s8  }
0x11: {  	[smem:$0x3FB8] =	sst s9;
	s0 =	simm.s32 @!p0 $0x0  }
0x12: {  	s1 =	sld [smem:$0x3F9E];
	s0 =	simm.s32 @p0 $0x1  }
0x13: {  	[smem:$0x3FB9] =	sst s0;
	s0 =	simm.s32 @!p1 $0x0  }
0x14: {  	s2 =	sld [smem:$0x3F9D];
	s0 =	simm.s32 @p1 $0x1  }
0x15: {  	[smem:$0x3FBA] =	sst s0;
	s0 =	simm.s32 @!p2 $0x0  }
0x16: {  	s3 =	sld [smem:$0x3FDB];
	s0 =	simm.s32 @p2 $0x1  }
0x17: {  	s4 =	simm.s32 $0x1BF5;
	[smem:$0x3FBC] =	sst s0  }
0x18: {  	s0 =	sld [smem:$0x3F9F];
	_ =	swait.ge [sflag:s4], $0x0  }
0x19: {  	s7 =	sld [smem:$0x3FA0]  }
0x1a: {  	s8 =	sadd.s32 $0xFFFFE003, lr  }
0x1b: {  	s9 =	sadd.s32 $0xFFFFFEF7, lr;
	s5 =	simm.s32 $0xFFFFFFFF;
	p2 =	slt.u32 s8, $0xFFFFF086  }
0x1c: {  	p1 =	slt.u32 s9, $0xF7A;
	s5 =	simm.s32 @!p2 $0x0  }
0x1d: {  	s5 =	simm.s32 @p1 $0x1;
	p0 =	seq.s32 s7, s2  }
0x1e: {  	s7 =	smul.u32 @!p0 $0xF7A, s2;
	p2 =	seq.s32 @!p0 s5, $0x0  }
0x1f: {  	s9 =	smul.u32 $0xF7A, s1;
	s8 =	simm.s32 @!p0 $0x1BF5;
	p2 =	por !p2, p0  }
0x20: {  	[sflag:s8] =	ssyncset.s32 @!p0 $0xFFFFF086;
	s6 =	sadd.s32 @!p0 s3, s7;
	s7 =	simm.s32 @!p0 $0x108  }
0x21: {  	s3 =	sadd.s32 s3, s9;
	s6 =	sadd.s32 @!p0 $0x88, s6;
	s7 =	simm.s32 @p2 $0x1082  }
0x22: {  	[simem:s7], [sflag:s8] =	dma.local @!p0 [hbm:s6], $0xF7A  }
0x23: {  	s9 =	sor.u32 $0xD0000000, s2;
	s6 =	simm.s32 $0x108;
	_ =	swait.ge @!p0 [sflag:s8], $0x0  }
0x24: {  	s3 =	sadd.s32 $0x88, s3;
	s6 =	simm.s32 @!p1 $0x1082;
	[sflag:s4] =	ssyncset.s32 $0xFFFFF086  }
0x25: {  	[simem:s6], [sflag:s4] =	dma.local [hbm:s3], $0xF7A  }
0x26: {  	[smem:$0x3FA0] =	sst s1;
	(tag) =	ssettag s2;
	_ =	strace s9  }
0x27: {  	s1 =	sld [smem:$0x3FB0]  }
0x28: {  	s2 =	sld [smem:$0x3FB1]  }
0x29: {  	s4 =	sld [smem:$0x3FB3]  }
0x2a: {  	p0 =	seq.s32 s5, $0x0;
	s5 =	sld [smem:$0x3FB4]  }
0x2b: {  	s6 =	sld [smem:$0x3FB5]  }
0x2c: {  	s7 =	sld [smem:$0x3FB6]  }
0x2d: {  	s3 =	simm.s32 $0x108;
	s8 =	sld [smem:$0x3FB7]  }
0x2e: {  	s3 =	simm.s32 @!p0 $0x1082;
	s9 =	sld [smem:$0x3FB8]  }
0x2f: {  	lr =	sadd.s32 s0, s3;
	s0 =	sld [smem:$0x3FAF]  }
0x30: {  	s3 =	sld [smem:$0x3FB2]  }
0x31: {  	[smem:$0x3FBB] =	sst s10  }
0x32: {  	s10 =	sld [smem:$0x3FB9];
	_ =	sdelay $0x3  }
0x33: {  	p0 =	seq.s32 s10, $0x1;
	s10 =	sld [smem:$0x3FBB];
	_ =	sdelay $0x3  }
0x34: {  	[smem:$0x3FBB] =	sst s10  }
0x35: {  	s10 =	sld [smem:$0x3FBA];
	_ =	sdelay $0x3  }
0x36: {  	p1 =	seq.s32 s10, $0x1;
	s10 =	sld [smem:$0x3FBB];
	_ =	sdelay $0x3  }
0x37: {  	[smem:$0x3FBB] =	sst s10  }
0x38: {  	s10 =	sld [smem:$0x3FBC]  }
0x39: {  	_ = 	snop;
	(pc) =	sbr.ind lr, $3  }
0x3a: {  	_ = 	snop  }
0x3b: {  	_ = 	snop  }
0x3c: {  	p2 =	seq.s32 s10, $0x1;
	s10 =	sld [smem:$0x3FBB]  }
0x3d: {  	_ =	shalt  }
0x3e: {  	_ =	shalt  }
0x3f: {  	_ =	shalt  }
0x40: {  	_ =	shalt  }
0x41: {  	_ =	shalt  }
0x42: {  	_ =	shalt  }
0x43: {  	_ =	shalt  }
0x44: {  	_ =	shalt  }
0x45: {  	_ =	shalt  }
0x46: {  	_ =	shalt  }
0x47: {  	_ =	shalt  }
0x48: {  	_ =	shalt  }
0x49: {  	_ =	shalt  }
0x4a: {  	_ =	shalt  }
0x4b: {  	_ =	shalt  }
0x4c: {  	_ =	shalt  }
0x4d: {  	_ =	shalt  }
0x4e: {  	_ =	shalt  }
0x4f: {  	_ =	shalt  }
0x50: {  	_ =	shalt  }
0x51: {  	_ =	shalt  }
0x52: {  	_ =	shalt  }
0x53: {  	_ =	shalt  }
0x54: {  	_ =	shalt  }
0x55: {  	_ =	shalt  }
0x56: {  	_ =	shalt  }
0x57: {  	_ =	shalt  }
0x58: {  	_ =	shalt  }
0x59: {  	_ =	shalt  }
0x5a: {  	_ =	shalt  }
0x5b: {  	_ =	shalt  }
0x5c: {  	_ =	shalt  }
0x5d: {  	_ =	shalt  }
0x5e: {  	_ =	shalt  }
0x5f: {  	_ =	shalt  }
0x60: {  	_ =	shalt  }
0x61: {  	_ =	shalt  }
0x62: {  	_ =	shalt  }
0x63: {  	_ =	shalt  }
0x64: {  	_ =	shalt  }
0x65: {  	_ =	shalt  }
0x66: {  	_ =	shalt  }
0x67: {  	_ =	shalt  }
0x68: {  	_ =	shalt  }
0x69: {  	_ =	shalt  }
0x6a: {  	_ =	shalt  }
0x6b: {  	_ =	shalt  }
0x6c: {  	_ =	shalt  }
0x6d: {  	_ =	shalt  }
0x6e: {  	_ =	shalt  }
0x6f: {  	_ =	shalt  }
0x70: {  	_ =	shalt  }
0x71: {  	_ =	shalt  }
0x72: {  	_ =	shalt  }
0x73: {  	_ =	shalt  }
0x74: {  	_ =	shalt  }
0x75: {  	_ =	shalt  }
0x76: {  	_ =	shalt  }
0x77: {  	_ =	shalt  }
0x78: {  	_ =	shalt  }
0x79: {  	_ =	shalt  }
0x7a: {  	_ =	shalt  }
0x7b: {  	_ =	shalt  }
0x7c: {  	_ =	shalt  }
0x7d: {  	_ =	shalt  }
0x7e: {  	_ =	shalt  }
0x7f: {  	_ =	shalt  }
0x80: {  	_ =	shalt  }
0x81: {  	_ =	shalt  }
0x82: {  	_ =	shalt  }
0x83: {  	_ =	shalt  }
0x84: {  	_ =	shalt  }
0x85: {  	_ =	shalt  }
0x86: {  	_ =	shalt  }
0x87: {  	_ =	shalt  }
.Lfunc_end0:
.L_simem_size_0:
called_computation_lowered:
.L_overlay_start_0:
0x88: {  	s2 =	sld [smem:$0x3FD9]  }
0x89: {  	s3 =	sld [smem:$0x3FFE];
	_ =	sdelay $0x1  }
0x8a: {  	s1 =	srdreg.scid  }
0x8b: {  	s0 =	sand.u32 $0x1, s1  }
0x8c: {  	s18 =	sshll.u32 s0, $0xA;
	s2 =	sadd.s32 s3, s2  }
0x8d: {  	s2 =	sadd.s32 s2, s18  }
0x8e: {  	[smem:$0x3FC7] =	sst s2  }
0x8f: {  	_ = 	snop  }
0x90: {  	s2 =	sld [smem:$0x3FC9]  }
0x91: {  	s19 =	sld [smem:$0x3FD0];
	(tm) =	ssettm $0x1  }
0x92: {  	s4 =	sld [smem:$0x3FFB];
	_ =	sdelay $0x3  }
0x93: {  	_ =	strace s4  }
0x94: {  	s4 =	sld [smem:$0x3FFC];
	_ =	sdelay $0x3  }
0x95: {  	_ =	strace s4  }
0x96: {  	s4 =	sld [smem:$0x3FFD];
	_ =	sdelay $0x3  }
0x97: {  	_ =	strace s4  }
0x98: {  	_ =	strace $0x8FFFFFFF  }
0x99: {  	s20 =	sld [smem:$0x3FDB];
	_ =	sdelay $0x1  }
0x9a: {  	s5 =	simm.s32 $_scs_section_size  }
0x9b: {  	s6 =	simm.s32 $_size__tile_overlayer_lowered;
	s7 =	simm.s32 $_tile_overlayer_lowered  }
0x9c: {  	s23 =	simm.s32 $0x1BFF;
	s22 =	sshll.u32 s7, $0x1;
	s4 =	sadd.s32 s5, s20  }
0x9d: {  	s8 =	simm.s32 $0x0;
	s21 =	sshll.u32 s6, $0x1;
	s6 =	sadd.s32 s22, s4  }
0x9e: {  	[timem:s8], [sflag:s23] =	dma.local [hbm:s6], s21  }
0x9f: {  	_ =	swait.ge [sflag:s23], s21  }
0xa0: {  	s5 =	ssub.s32 $0x0, s21;
	[sflag:s23] =	ssyncset.done $0x0  }
0xa1: {  	[sflag:s23] =	ssyncadd.s32 s5;
	_ =	sdelay $0x1  }
0xa2: {  	s24 =	simm.s32 $0x1B8B  }
0xa3: {  	_ =	swait.ge [sflag:s24], $0x1  }
0xa4: {  	[sflag:s24] =	ssyncset.done $0x0  }
0xa5: {  	s25 =	simm.s32 $0x1B8E;
	[sflag:s24] =	ssyncadd.s32 $0xFFFFFFFF  }
0xa6: {  	s26 =	simm.s32 $execute0_lowered;
	[smem:$0x3FD2] =	sst s25  }
0xa7: {  	s5 =	sshll.u32 s26, $0x1;
	_ =	strace $0x80000046;
	[dreg:$0x1] =	wrdreg $0xFFFFFFFF  }
0xa8: {  	s28 =	simm.s32 $_size_execute0_lowered;
	s4 =	sadd.s32 s4, s5;
	[dreg:$0x0] =	wrdreg $0x0  }
0xa9: {  	s5 =	sshll.u32 s28, $0x1;
	[dreg:$0x2] =	wrdreg s4  }
0xaa: {  	[dreg:$0x3] =	wrdreg s5  }
0xab: {  	[dreg:$0x4] =	wrdreg $0xC0  }
0xac: {  	_ =	task [dreg:s8], $0x5FFFF  }
0xad: {  	[dreg:$0x1] =	wrdreg $0xFFFFFFFF  }
0xae: {  	[dreg:$0x0] =	wrdreg $0x60  }
0xaf: {  	[dreg:$0x2] =	wrdreg s2  }
0xb0: {  	[dreg:$0x3] =	wrdreg s19  }
0xb1: {  	[dreg:$0x4] =	wrdreg $0x9  }
0xb2: {  	_ =	task.clear_ibuf [dreg:s8], $0x5FFFF;
	_ =	strace $0x90000046  }
0xb3: {  	s29 =	simm.s32 $0x9;
	_ =	strace $0x80000048  }
0xb4: {  	_ =	swait.ge [sflag:s29], $0x1  }
0xb5: {  	[sflag:s29] =	ssyncadd.s32 $0xFFFFFFFF  }
0xb6: {  	_ =	strace $0x90000048  }
0xb7: {  	_ =	sfence  }
0xb8: {  	s30 =	sld [smem:$0x0];
	_ =	sdelay $0x2  }
0xb9: {  	s31 =	sshll.u32 s1, $0xD;
	s1 =	sshrl.u32 s1, $0x2  }
0xba: {  	s3 =	sand.u32 $0x4000, s31;
	s1 =	sadd.s32 s1, s30  }
0xbb: {  	s0 =	sor.u32 s3, s0;
	s1 =	sshll.u32 s1, $0x11  }
0xbc: {  	s0 =	sor.u32 s1, s0  }
0xbd: {  	s0 =	sadd.s32 $0x8F2B, s0  }
0xbe: {  	[sflag:s0] =	ssyncadd.remote.s32 $0x1  }
0xbf: {  	_ =	sfence.sel $0xFFFF  }
0xc0: {  	[dreg:$0x0] =	wrdreg $0xFFFFFFFF;
	(pc) =	sbr.abs _section_cstart, $3  }
0xc1: {  	[dreg:$0x1] =	wrdreg $0xFFFFFFFF  }
0xc2: {  	_ =	task.clear_ibuf [dreg:s8], $0x2FFFF;
	_ =	strace $0x9FFFFFFF  }
0xc3: {  	(tm) =	ssettm $0x7FFFFFFF  }
tec
execute0_lowered:
.L_overlay_start_1:
0x0: {  	(tag) =	ssettag $0x1  }
0x1: {  	s1 =	srdreg.scid  }
0x2: {  	s0 =	stileid.u32;
	s2 =	rddreg [dreg:$0x0]  }
0x3: {  	s12 =	rddreg [dreg:$0x1];
	s14 =	simm.s32 $0x80;
	s15 =	simm.s32 $0x400  }
0x4: {  	v0 =	vlaneseq.u32;
	s16 =	simm.s32 $0x2000;
	s17 =	simm.s32 $0x4000;
	s18 =	simm.s32 $0x6000  }
0x5: {  	s19 =	simm.s32 $0x8000;
	s20 =	simm.s32 $0xA000;
	s21 =	simm.s32 $0xC000;
	v1 =	vor.u32 $0x10, v0  }
0x6: {  	s22 =	simm.s32 $0x10200;
	s1 =	sand.u32 $0x1, s1;
	s3 =	sshll.u32 s0, $0x1;
	v2 =	vor.u32 $0x20, v0;
	v3 =	vor.u32 $0x30, v0;
	v4 =	vor.u32 $0x40, v0  }
0x7: {  	s23 =	simm.s32 $0x10480;
	s24 =	simm.s32 $0x9;
	v5 =	vor.u32 $0x50, v0;
	v6 =	vor.u32 $0x60, v0;
	v7 =	vor.u32 $0x70, v0;
	s4 =	sor.u32 s1, s3  }
0x8: {  	s25 =	simm.s32 $0x0;
	v8 =	vor.u32 $0x80, v0;
	v9 =	vor.u32 $0x90, v0;
	v10 =	vor.u32 $0xA0, v0;
	s3 =	simm.s32 $0x0;
	s5 =	smul.u32 $0x6000, s4  }
0x9: {  	v11 =	vor.u32 $0xB0, v0;
	v12 =	vor.u32 $0xC0, v0;
	v13 =	vor.u32 $0xD0, v0;
	s1 =	ssub.s32 $0x2, s1;
	[smem:$0x7FF] =	sst s3;
	s6 =	smul.u32 $0x30000, s4  }
0xa: {  	v14 =	vor.u32 $0xE0, v0;
	v15 =	vor.u32 $0xF0, v0;
	v16 =	vor.u32 $0x100, v0;
	s7 =	sshrl.u32 s1, $0x1;
	s13 =	smul.u32 $0x18, s4;
	_ =	strace $0x80000047  }
.Ltmp0:
0xb: {  	v17 =	vor.u32 $0x110, v0;
	v18 =	vor.u32 $0x120, v0;
	v19 =	vor.u32 $0x130, v0;
	s1 =	ssub.s32 s1, s7;
	s5 =	sadd.s32 s2, s5;
	(pc) =	sbr.rel .LBB2_1-.Ltmp0, $4  }
0xc: {  	v20 =	vor.u32 $0x140, v0;
	v21 =	vor.u32 $0x150, v0;
	v22 =	vor.u32 $0x160, v0;
	s6 =	sshrl.u32 s6, $0x3;
	s11 =	sadd.s32 $0x107, s13;
	s12 =	sadd.s32 s12, s13  }
0xd: {  	v23 =	vor.u32 $0x170, v0;
	v24 =	vor.u32 $0x180, v0;
	v25 =	vor.u32 $0x190, v0;
	s13 =	smax.u32 s1, $0x1;
	s4 =	sadd.s32 $0x40000, s5;
	s10 =	sadd.s32 s2, s6  }
0xe: {  	v26 =	vor.u32 $0x1A0, v0;
	v27 =	vor.u32 $0x1B0, v0;
	v28 =	vor.u32 $0x1C0, v0;
	s5 =	sadd.s32 $0x40010, s10;
	s6 =	sadd.s32 $0x40020, s10;
	s7 =	sadd.s32 $0x40030, s10  }
0xf: {  	v29 =	vor.u32 $0x1D0, v0;
	v30 =	vor.u32 $0x1E0, v0;
	v31 =	vor.u32 $0x1F0, v0;
	s8 =	sadd.s32 $0x40040, s10;
	s9 =	sadd.s32 $0x40050, s10;
	s10 =	sadd.s32 $0x40060, s10  }
.LBB2_11:
0x10: {  	s25 =	sadd.s32 $0x1, s25  }
0x11: {  	p0 =	sne.s32 s25, s13  }
.Ltmp1:
0x12: {  	_ = 	snop;
	(pc) =	sbr.rel @!p0 .LBB2_12-.Ltmp1, $4  }
0x13: {  	[hbm4b:s12+s3] =	stream.linear.scatter [tilespmem:s23], [sflag:$0x9], $0xC0, $0x38;
	[tilespmem:$0x10580] =	vst v63  }
0x14: {  	_ =	swait.ge [sflag:s24], $0xC0  }
0x15: {  	[sflag:s24] =	ssyncset.done $0x0  }
0x16: {  	[sflag:s24] =	ssyncadd.s32 $0xFFFFFF40  }
.LBB2_1:
0x17: {  	[tilespmem:s3], [sflag:$0x1] =	stream.strided.gather [hbm4b:s4+s14], $0x2000, s15, s14, $0x38;
	[tilespmem:$0x10580] =	vst v63  }
0x18: {  	_ = 	snop  }
0x19: {  	[tilespmem:s16], [sflag:$0x2] =	stream.strided.gather [hbm4b:s5+s14], $0x2000, s15, s14, $0x38;
	[tilespmem:$0x10580] =	vst v63  }
0x1a: {  	_ = 	snop  }
0x1b: {  	[tilespmem:s17], [sflag:$0x3] =	stream.strided.gather [hbm4b:s6+s14], $0x2000, s15, s14, $0x38;
	[tilespmem:$0x10580] =	vst v63  }
0x1c: {  	_ = 	snop  }
0x1d: {  	[tilespmem:s18], [sflag:$0x4] =	stream.strided.gather [hbm4b:s7+s14], $0x2000, s15, s14, $0x38;
	[tilespmem:$0x10580] =	vst v63  }
0x1e: {  	_ = 	snop  }
0x1f: {  	[tilespmem:s19], [sflag:$0x5] =	stream.strided.gather [hbm4b:s8+s14], $0x2000, s15, s14, $0x38;
	[tilespmem:$0x10580] =	vst v63  }
.Ltmp2:
0x20: {  	_ = 	snop;
	(pc) =	sbr.rel .LBB2_2-.Ltmp2, $4  }
0x21: {  	_ = 	snop  }
0x22: {  	[tilespmem:s20], [sflag:$0x6] =	stream.strided.gather [hbm4b:s9+s14], $0x2000, s15, s14, $0x38;
	[tilespmem:$0x10580] =	vst v63  }
0x23: {  	s26 =	simm.s32 $0x0;
	s28 =	simm.s32 $0x0  }
0x24: {  	[tilespmem:s21], [sflag:$0x7] =	stream.strided.gather [hbm4b:s10+s14], $0x2000, s15, s14, $0x38;
	[tilespmem:$0x10580] =	vst v63  }
.LBB2_7:
0x25: {  	v42 =	vimm.f32 $-Inf;
	v41 =	vimm.f32 $-Inf  }
0x26: {  	v40 =	vimm.f32 $-Inf;
	v39 =	vimm.f32 $-Inf;
	v37 =	vimm.f32 $-Inf  }
0x27: {  	v38 =	vimm.f32 $-Inf;
	v36 =	vimm.f32 $-Inf;
	v35 =	vimm.f32 $-Inf  }
.LBB2_10:
0x28: {  	(xrf1) =	vsort.dscd.msk.f32 $0xffff, v42, v42  }
0x29: {  	(xrf1) =	vsort.dscd.msk.f32 $0xffff, v41, v41  }
0x2a: {  	(xrf1) =	vsort.dscd.msk.f32 $0xffff, v40, v40  }
0x2b: {  	(xrf1) =	vsort.dscd.msk.f32 $0xffff, v39, v39  }
0x2c: {  	(xrf1) =	vsort.dscd.msk.f32 $0xffff, v37, v37  }
0x2d: {  	(xrf1) =	vsort.dscd.msk.f32 $0xffff, v38, v38  }
0x2e: {  	(xrf1) =	vsort.dscd.msk.f32 $0xffff, v36, v36  }
0x2f: {  	(xrf1) =	vsort.dscd.msk.f32 $0xffff, v35, v35;
	_ =	sdelay $0x6  }
0x30: {  	v32, _, _ =	vpop (xrf1)  }
0x31: {  	v33, _, _ =	vpop (xrf1)  }
0x32: {  	v48 =	vmul.u32 $0xFFFFFFFF, v0;
	v34, _, _ =	vpop (xrf1)  }
0x33: {  	v49, _, _ =	vpop (xrf1)  }
0x34: {  	v35 =	vadd.s32 $0xF, v48;
	v37, _, _ =	vpop (xrf1)  }
0x35: {  	v33 =	vperm.xlane v33, v35;
	v38, _, _ =	vpop (xrf1)  }
0x36: {  	v36 =	vperm.xlane v49, v35;
	v50, _, _ =	vpop (xrf1)  }
0x37: {  	v32 =	vmax.f32 v32, v33;
	v52 =	vperm.xlane v38, v35;
	v51, _, _ =	vpop (xrf1)  }
0x38: {  	(xrf1) =	vsort.dscd.msk.f32 $0xffff, v32, v32;
	v53 =	vmax.f32 v34, v36;
	v54 =	vperm.xlane v51, v35  }
0x39: {  	(xrf1) =	vsort.dscd.msk.f32 $0xffff, v53, v53;
	v55 =	vmax.f32 v37, v52  }
0x3a: {  	(xrf1) =	vsort.dscd.msk.f32 $0xffff, v55, v55;
	v56 =	vmax.f32 v50, v54  }
0x3b: {  	(xrf1) =	vsort.dscd.msk.f32 $0xffff, v56, v56;
	_ =	sdelay $0xa  }
0x3c: {  	v57, _, _ =	vpop (xrf1)  }
0x3d: {  	v58, _, _ =	vpop (xrf1)  }
0x3e: {  	v59, _, _ =	vpop (xrf1)  }
0x3f: {  	v33 =	vperm.xlane v58, v35;
	v60, _, _ =	vpop (xrf1)  }
0x40: {  	v36 =	vperm.xlane v60, v35  }
0x41: {  	v32 =	vmax.f32 v57, v33  }
0x42: {  	(xrf1) =	vsort.dscd.msk.f32 $0xffff, v32, v32;
	v61 =	vmax.f32 v59, v36  }
0x43: {  	(xrf1) =	vsort.dscd.msk.f32 $0xffff, v61, v61;
	_ =	sdelay $0xc  }
0x44: {  	v62, _, _ =	vpop (xrf1)  }
0x45: {  	v63, _, _ =	vpop (xrf1)  }
0x46: {  	v33 =	vperm.xlane v63, v35;
	_ =	sdelay $0x1  }
0x47: {  	v32 =	vmax.f32 v62, v33  }
0x48: {  	(xrf1) =	vsort.dscd.msk.f32 $0xffff, v32, v32;
	_ =	sdelay $0x8  }
0x49: {  	s0 =	sshll.u32 s28, $0x3;
	s28 =	sadd.s32 $0x1, s28  }
0x4a: {  	p0 =	sne.s32 s28, $0x18  }
.Ltmp3:
0x4b: {  	_ = 	snop;
	(pc) =	sbr.rel @!p0 .LBB2_11-.Ltmp3, $3  }
0x4c: {  	_ =	sdelay $0x1  }
0x4d: {  	s0 =	sand.u32 $0x3FFFFFF8, s0;
	v32, _, _ =	vpop (xrf1)  }
0x4e: {  	s26 =	sadd.s32 $0x1, s26;
	[tilespmem:s0+$0x10480] =	vst.msk $0xff, v32  }
.LBB2_2:
0x4f: {  	p0 =	sgt.u32 s28, $0x10  }
.Ltmp4:
0x50: {  	_ = 	snop;
	(pc) =	sbr.rel @p0 .LBB2_4-.Ltmp4, $1  }
0x51: {  	_ =	sdelay $0x3  }
0x52: {  	s1 =	sadd.s32 $0xFFFFFFFF, s28  }
0x53: {  	s1 =	sand.u32 $0x7, s1  }
0x54: {  	p0 =	sgt.s32 s1, $0x3  }
0x55: {  	s29 =	sadd.s32 s28, s11;
	p1 =	sgt.s32 @p0 s1, $0x5  }
0x56: {  	s30 =	sshll.u32 s29, $0xA;
	s29 =	sshll.u32 s29, $0x4;
	p2 =	por !p1, !p0  }
0x57: {  	s30 =	sand.u32 $0xFFFE000, s30;
	s29 =	sand.u32 $0x70, s29;
	p2 =	seq.s32 @!p2 s1, $0x6  }
0x58: {  	s29 =	sor.u32 s29, s30;
	p3 =	por @p0 !p2, !p1;
	p2 =	por @p0 p2, !p1  }
0x59: {  	s29 =	sadd.s32 s2, s29;
	p3 =	por p3, !p0;
	p2 =	por p2, !p0  }
0x5a: {  	s30 =	simm.s32 @!p3 $0x80;
	s31 =	simm.s32 @!p3 $0x400;
	s0 =	simm.s32 @!p3 $0xC000  }
0x5b: {  	[tilespmem:s0], [sflag:$0x7] =	stream.strided.gather @!p3 [hbm4b:s29+s30], $0x2000, s31, s30, $0x38;
	[tilespmem:$0x10580] =	vst v63  }
0x5c: {  	s0 =	simm.s32 @!p2 $0x80;
	s30 =	simm.s32 @!p2 $0x400;
	s31 =	simm.s32 @!p2 $0xE000  }
0x5d: {  	[tilespmem:s31], [sflag:$0x8] =	stream.strided.gather @!p2 [hbm4b:s29+s0], $0x2000, s30, s0, $0x38;
	[tilespmem:$0x10580] =	vst v63  }
0x5e: {  	p2 =	por p1, !p0  }
0x5f: {  	p2 =	seq.s32 @!p2 s1, $0x4  }
0x60: {  	p3 =	por @p0 !p2, p1;
	p1 =	por @p0 p2, p1  }
0x61: {  	p3 =	por p3, !p0;
	p1 =	por p1, !p0  }
0x62: {  	s0 =	simm.s32 @!p3 $0x80;
	s30 =	simm.s32 @!p3 $0x400;
	s31 =	simm.s32 @!p3 $0x8000  }
0x63: {  	[tilespmem:s31], [sflag:$0x5] =	stream.strided.gather @!p3 [hbm4b:s29+s0], $0x2000, s30, s0, $0x38;
	[tilespmem:$0x10580] =	vst v63  }
0x64: {  	s0 =	simm.s32 @!p1 $0x80;
	s30 =	simm.s32 @!p1 $0x400;
	s31 =	simm.s32 @!p1 $0xA000  }
0x65: {  	[tilespmem:s31], [sflag:$0x6] =	stream.strided.gather @!p1 [hbm4b:s29+s0], $0x2000, s30, s0, $0x38;
	[tilespmem:$0x10580] =	vst v63  }
0x66: {  	p1 =	sgt.s32 @!p0 s1, $0x1  }
0x67: {  	p2 =	por !p1, p0  }
0x68: {  	p2 =	seq.s32 @!p2 s1, $0x2  }
0x69: {  	p3 =	por @!p0 !p2, !p1;
	p2 =	por @!p0 p2, !p1  }
0x6a: {  	p3 =	por p3, p0;
	p2 =	por p2, p0  }
0x6b: {  	s0 =	simm.s32 @!p3 $0x80;
	s30 =	simm.s32 @!p3 $0x400;
	s31 =	simm.s32 @!p3 $0x4000  }
0x6c: {  	[tilespmem:s31], [sflag:$0x3] =	stream.strided.gather @!p3 [hbm4b:s29+s0], $0x2000, s30, s0, $0x38;
	[tilespmem:$0x10580] =	vst v63  }
0x6d: {  	s0 =	simm.s32 @!p2 $0x80;
	s30 =	simm.s32 @!p2 $0x400;
	s31 =	simm.s32 @!p2 $0x6000  }
0x6e: {  	[tilespmem:s31], [sflag:$0x4] =	stream.strided.gather @!p2 [hbm4b:s29+s0], $0x2000, s30, s0, $0x38;
	[tilespmem:$0x10580] =	vst v63  }
0x6f: {  	p2 =	por p1, p0  }
0x70: {  	p2 =	seq.s32 @!p2 s1, $0x0  }
0x71: {  	p3 =	por @!p0 !p2, p1;
	p1 =	por @!p0 p2, p1  }
0x72: {  	p3 =	por p3, p0;
	p0 =	por p1, p0  }
0x73: {  	s0 =	simm.s32 @!p3 $0x80;
	s1 =	simm.s32 @!p3 $0x400;
	s30 =	simm.s32 @!p3 $0x0  }
0x74: {  	[tilespmem:s30], [sflag:$0x1] =	stream.strided.gather @!p3 [hbm4b:s29+s0], $0x2000, s1, s0, $0x38;
	[tilespmem:$0x10580] =	vst v63  }
0x75: {  	s0 =	simm.s32 @!p0 $0x80;
	s1 =	simm.s32 @!p0 $0x400;
	s30 =	simm.s32 @!p0 $0x2000  }
0x76: {  	[tilespmem:s30], [sflag:$0x2] =	stream.strided.gather @!p0 [hbm4b:s29+s0], $0x2000, s1, s0, $0x38;
	[tilespmem:$0x10580] =	vst v63  }
.LBB2_4:
0x77: {  	s0 =	sand.u32 $0x7, s28  }
0x78: {  	p0 =	sgt.s32 s0, $0x3  }
0x79: {  	p4 =	sgt.s32 @p0 s0, $0x5  }
0x7a: {  	p1 =	por !p4, !p0  }
0x7b: {  	s1 =	simm.s32 @!p1 $0x0;
	p2 =	seq.s32 @!p1 s0, $0x6  }
0x7c: {  	s1 =	simm.s32 @p1 $0x1;
	p3 =	por @p0 p2, !p4;
	p2 =	por @p0 !p2, !p4  }
0x7d: {  	[smem:$0x7FD] =	sst s1;
	p3 =	por p3, !p0;
	p2 =	por !p2, !p0  }
0x7e: {  	[smem:$0x7FC] =	sst s2;
	s1 =	simm.s32 @!p3 $0x8;
	p3 =	por p4, !p0  }
0x7f: {  	s2 =	sld [smem:$0x7FD];
	p5 =	seq.s32 @!p3 s0, $0x4;
	p3 =	sgt.s32 @!p0 s0, $0x1  }
0x80: {  	s1 =	simm.s32 @p2 $0x7;
	p6 =	por @p0 p5, p4;
	p2 =	por !p3, p0  }
0x81: {  	p4 =	por @p0 !p5, p4;
	p5 =	por p6, !p0;
	p6 =	seq.s32 @!p2 s0, $0x2  }
0x82: {  	p1 =	por p3, p0;
	s29 =	simm.s32 @!p5 $0x6;
	p5 =	por @!p0 p6, !p3  }
0x83: {  	p4 =	por !p4, !p0;
	p1 =	seq.s32 @!p1 s0, $0x0;
	p5 =	por p5, p0  }
0x84: {  	s29 =	simm.s32 @p4 $0x5;
	p4 =	por @!p0 p1, p3;
	p1 =	por @!p0 !p1, p3  }
0x85: {  	s30 =	simm.s32 @!p5 $0x4;
	p5 =	por @!p0 !p6, !p3;
	p3 =	por p4, p0  }
0x86: {  	p1 =	por !p1, p0;
	s31 =	simm.s32 @!p3 $0x2;
	p3 =	por !p5, p0  }
0x87: {  	s30 =	simm.s32 @p3 $0x3;
	s31 =	simm.s32 @p1 $0x1;
	p1 =	seq.s32 s2, $0x1  }
0x88: {  	s1 =	smov.u32 @p1 s29;
	s30 =	smov.u32 @p2 s31  }
0x89: {  	s30 =	smov.u32 @p0 s1  }
0x8a: {  	s2 =	sld [smem:$0x7FC];
	s1 =	sand.u32 $0x7, s26;
	_ =	swait.ge [sflag:s30], $0x2000  }
0x8b: {  	s1 =	sshll.u32 s1, $0xD;
	[sflag:s30] =	ssyncset.done $0x0  }
0x8c: {  	s31 =	sor.u32 $0x80, s1;
	[sflag:s30] =	ssyncadd.s32 $0xFFFFE000  }
0x8d: {  	v33 =	vld [tilespmem:s31+$0xFFFFFF90]  }
0x8e: {  	v32 =	vimm.f32 $-Inf;
	s29 =	sshll.u32 s0, $0xD;
	s1 =	simm.s32 $0x40;
	s30 =	simm.s32 $0x0;
	v34 =	vld [tilespmem:s31+$0xFFFFFF80]  }
.LBB2_5:
0x8f: {  	p0 =	sne.s32 s1, $0x7C0;
	v35 =	vld [tilespmem:s31+$0xFFFFFFA0]  }
0x90: {  	v36 =	vld [tilespmem:s31+$0xFFFFFFB0]  }
0x91: {  	v37 =	vld [tilespmem:s31+$0xFFFFFFC0]  }
0x92: {  	v38 =	vld [tilespmem:s31+$0xFFFFFFD0]  }
0x93: {  	v33 =	vmax.f32 v34, v33;
	v34 =	vld [tilespmem:s31+$0xFFFFFFE0]  }
0x94: {  	v33 =	vmax.f32 v33, v35;
	v35 =	vld [tilespmem:s31+$0xFFFFFFF0]  }
0x95: {  	v33 =	vmax.f32 v33, v36;
	v36 =	vld [tilespmem:s31+$0x0]  }
0x96: {  	v33 =	vmax.f32 v33, v37;
	v37 =	vld [tilespmem:s31+$0x10]  }
0x97: {  	v33 =	vmax.f32 v33, v38;
	v38 =	vld [tilespmem:s31+$0x20]  }
0x98: {  	v33 =	vmax.f32 v33, v34;
	v34 =	vld [tilespmem:s31+$0x30]  }
0x99: {  	v33 =	vmax.f32 v33, v35;
	v35 =	vld [tilespmem:s31+$0x40]  }
0x9a: {  	v33 =	vmax.f32 v33, v36;
	v36 =	vld [tilespmem:s31+$0x50]  }
0x9b: {  	v33 =	vmax.f32 v33, v37;
	v37 =	vld [tilespmem:s31+$0x60]  }
0x9c: {  	v33 =	vmax.f32 v33, v38;
	v38 =	vld [tilespmem:s31+$0x70]  }
0x9d: {  	v33 =	vmax.f32 v33, v34  }
0x9e: {  	v33 =	vmax.f32 v33, v35  }
0x9f: {  	v33 =	vmax.f32 v33, v36  }
.Ltmp5:
0xa0: {  	v33 =	vmax.f32 v33, v37;
	(pc) =	sbr.rel @p0 .LBB2_5-.Ltmp5, $4  }
0xa1: {  	s0 =	sshra.s32 s30, $0x2;
	s30 =	smov.u32 s1;
	v33 =	vmax.f32 v33, v38  }
0xa2: {  	s31 =	sadd.s32 $0x100, s31;
	[tilespmem:s0+$0x10000] =	vst v33;
	v32 =	vmax.f32 v32, v33  }
0xa3: {  	v33 =	vld [tilespmem:s31+$0xFFFFFF90]  }
0xa4: {  	s1 =	sadd.s32 $0x40, s1;
	v34 =	vld [tilespmem:s31+$0xFFFFFF80]  }
0xa5: {  	v35 =	vld [tilespmem:s31+$0xFFFFFFA0]  }
0xa6: {  	v36 =	vld [tilespmem:s31+$0xFFFFFFB0]  }
0xa7: {  	v37 =	vld [tilespmem:s31+$0xFFFFFFC0]  }
0xa8: {  	v38 =	vld [tilespmem:s31+$0xFFFFFFD0]  }
0xa9: {  	v59 =	vld [tilespmem:s31+$0xFFFFFFE0];
	v33 =	vmax.f32 v34, v33  }
0xaa: {  	v60 =	vld [tilespmem:s31+$0xFFFFFFF0];
	v33 =	vmax.f32 v33, v35  }
0xab: {  	v61 =	vld [tilespmem:s31+$0x0];
	v33 =	vmax.f32 v33, v36  }
0xac: {  	v62 =	vld [tilespmem:s31+$0x10];
	v33 =	vmax.f32 v33, v37  }
0xad: {  	v63 =	vld [tilespmem:s31+$0x20];
	v33 =	vmax.f32 v33, v38  }
0xae: {  	v40 =	vld [tilespmem:s31+$0x30];
	v33 =	vmax.f32 v33, v59  }
0xaf: {  	v41 =	vld [tilespmem:s31+$0x40];
	v33 =	vmax.f32 v33, v60  }
0xb0: {  	v42 =	vld [tilespmem:s31+$0x50];
	v33 =	vmax.f32 v33, v61  }
0xb1: {  	v43 =	vld [tilespmem:s31+$0x60];
	v33 =	vmax.f32 v33, v62  }
0xb2: {  	v44 =	vld [tilespmem:s31+$0x70];
	v33 =	vmax.f32 v33, v63  }
0xb3: {  	v33 =	vmax.f32 v33, v40  }
0xb4: {  	v33 =	vmax.f32 v33, v41  }
0xb5: {  	v33 =	vmax.f32 v33, v42  }
0xb6: {  	v33 =	vmax.f32 v33, v43  }
0xb7: {  	v33 =	vmax.f32 v33, v44  }
0xb8: {  	v32 =	vmax.f32 v32, v33  }
0xb9: {  	(xrf1) =	vsort.dscd.msk.f32 $0xffff, v32, v32;
	_ =	sdelay $0x9  }
0xba: {  	s0 =	sshra.s32 s30, $0x2  }
0xbb: {  	[tilespmem:s0+$0x10000] =	vst v33  }
0xbc: {  	v33 =	vld [tilespmem:$0x10000];
	_ =	sdelay $0x1  }
0xbd: {  	v32, _, _ =	vpop (xrf1)  }
0xbe: {  	v32 =	vbroadcast v32, $0x7;
	_ =	sdelay $0x1  }
0xbf: {  	vm0 =	vge.f32 v33, v32  }
0xc0: {  	[tilespmem:s22+$0x0] =	vst.msk vm0, v0  }
0xc1: {  	v33 =	vmpcnt.ones.xlane vm0;
	v45 =	vld [tilespmem:$0x10010];
	_ =	sdelay $0x1  }
0xc2: {  	(v2sf) =	vpush v33, $0x0;
	_ =	sdelay $0x2  }
0xc3: {  	vm9 =	vge.f32 v45, v32  }
0xc4: {  	v46 =	vmpcnt.ones.xlane vm9;
	_ =	sdelay $0x1  }
0xc5: {  	(v2sf) =	vpush v46, $0x0;
	_ =	sdelay $0x8  }
0xc6: {  	s31 =	spop (v2sf)  }
0xc7: {  	[tilespmem:s31+$0x10200] =	vst.msk vm9, v1  }
0xc8: {  	v47 =	vld [tilespmem:$0x10020];
	_ =	sdelay $0x3  }
0xc9: {  	s1 =	spop (v2sf)  }
0xca: {  	vm10 =	vge.f32 v47, v32;
	s0 =	sadd.s32 s31, s1  }
0xcb: {  	v33 =	vmpcnt.ones.xlane vm10;
	[tilespmem:s0+$0x10200] =	vst.msk vm10, v2  }
0xcc: {  	v48 =	vld [tilespmem:$0x10030]  }
0xcd: {  	(v2sf) =	vpush v33, $0x0;
	_ =	sdelay $0x3  }
0xce: {  	vm11 =	vge.f32 v48, v32  }
0xcf: {  	v49 =	vmpcnt.ones.xlane vm11;
	_ =	sdelay $0x1  }
0xd0: {  	(v2sf) =	vpush v49, $0x0;
	_ =	sdelay $0x7  }
0xd1: {  	s31 =	spop (v2sf)  }
0xd2: {  	s0 =	sadd.s32 s0, s31  }
0xd3: {  	[tilespmem:s0+$0x10200] =	vst.msk vm11, v3  }
0xd4: {  	v50 =	vld [tilespmem:$0x10040];
	_ =	sdelay $0x3  }
0xd5: {  	s31 =	spop (v2sf)  }
0xd6: {  	vm12 =	vge.f32 v50, v32;
	s0 =	sadd.s32 s0, s31  }
0xd7: {  	v33 =	vmpcnt.ones.xlane vm12;
	[tilespmem:s0+$0x10200] =	vst.msk vm12, v4  }
0xd8: {  	v51 =	vld [tilespmem:$0x10050]  }
0xd9: {  	(v2sf) =	vpush v33, $0x0;
	_ =	sdelay $0x3  }
0xda: {  	vm13 =	vge.f32 v51, v32  }
0xdb: {  	v52 =	vmpcnt.ones.xlane vm13;
	_ =	sdelay $0x1  }
0xdc: {  	(v2sf) =	vpush v52, $0x0;
	_ =	sdelay $0x7  }
0xdd: {  	s31 =	spop (v2sf)  }
0xde: {  	s0 =	sadd.s32 s0, s31  }
0xdf: {  	[tilespmem:s0+$0x10200] =	vst.msk vm13, v5  }
0xe0: {  	v53 =	vld [tilespmem:$0x10060];
	_ =	sdelay $0x3  }
0xe1: {  	s31 =	spop (v2sf)  }
0xe2: {  	vm14 =	vge.f32 v53, v32;
	s0 =	sadd.s32 s0, s31  }
0xe3: {  	v33 =	vmpcnt.ones.xlane vm14;
	[tilespmem:s0+$0x10200] =	vst.msk vm14, v6  }
0xe4: {  	v54 =	vld [tilespmem:$0x10070]  }
0xe5: {  	(v2sf) =	vpush v33, $0x0;
	_ =	sdelay $0x3  }
0xe6: {  	vm15 =	vge.f32 v54, v32  }
0xe7: {  	v55 =	vmpcnt.ones.xlane vm15;
	_ =	sdelay $0x1  }
0xe8: {  	(v2sf) =	vpush v55, $0x0;
	_ =	sdelay $0x7  }
0xe9: {  	s31 =	spop (v2sf)  }
0xea: {  	s0 =	sadd.s32 s0, s31  }
0xeb: {  	[tilespmem:s0+$0x10200] =	vst.msk vm15, v7  }
0xec: {  	v56 =	vld [tilespmem:$0x10080];
	_ =	sdelay $0x3  }
0xed: {  	s31 =	spop (v2sf)  }
0xee: {  	vm4 =	vge.f32 v56, v32;
	s0 =	sadd.s32 s0, s31  }
0xef: {  	v33 =	vmpcnt.ones.xlane vm4;
	[tilespmem:s0+$0x10200] =	vst.msk vm4, v8  }
0xf0: {  	v57 =	vld [tilespmem:$0x10090]  }
0xf1: {  	(v2sf) =	vpush v33, $0x0;
	_ =	sdelay $0x3  }
0xf2: {  	vm5 =	vge.f32 v57, v32  }
0xf3: {  	v58 =	vmpcnt.ones.xlane vm5;
	_ =	sdelay $0x1  }
0xf4: {  	(v2sf) =	vpush v58, $0x0;
	_ =	sdelay $0x7  }
0xf5: {  	s31 =	spop (v2sf)  }
0xf6: {  	s0 =	sadd.s32 s0, s31  }
0xf7: {  	[tilespmem:s0+$0x10200] =	vst.msk vm5, v9  }
0xf8: {  	v59 =	vld [tilespmem:$0x100A0];
	_ =	sdelay $0x3  }
0xf9: {  	s31 =	spop (v2sf)  }
0xfa: {  	vm6 =	vge.f32 v59, v32;
	s0 =	sadd.s32 s0, s31  }
0xfb: {  	v33 =	vmpcnt.ones.xlane vm6;
	[tilespmem:s0+$0x10200] =	vst.msk vm6, v10  }
0xfc: {  	v60 =	vld [tilespmem:$0x100B0]  }
0xfd: {  	(v2sf) =	vpush v33, $0x0;
	_ =	sdelay $0x3  }
0xfe: {  	vm7 =	vge.f32 v60, v32  }
0xff: {  	v61 =	vmpcnt.ones.xlane vm7;
	_ =	sdelay $0x1  }
0x100: {  	(v2sf) =	vpush v61, $0x0;
	_ =	sdelay $0x7  }
0x101: {  	s31 =	spop (v2sf)  }
0x102: {  	s0 =	sadd.s32 s0, s31  }
0x103: {  	[tilespmem:s0+$0x10200] =	vst.msk vm7, v11  }
0x104: {  	v62 =	vld [tilespmem:$0x100C0];
	_ =	sdelay $0x3  }
0x105: {  	s31 =	spop (v2sf)  }
0x106: {  	vm8 =	vge.f32 v62, v32;
	s0 =	sadd.s32 s0, s31  }
0x107: {  	v33 =	vmpcnt.ones.xlane vm8;
	[tilespmem:s0+$0x10200] =	vst.msk vm8, v12  }
0x108: {  	v63 =	vld [tilespmem:$0x100D0]  }
0x109: {  	(v2sf) =	vpush v33, $0x0;
	_ =	sdelay $0x3  }
0x10a: {  	vm9 =	vge.f32 v63, v32  }
0x10b: {  	v36 =	vmpcnt.ones.xlane vm9;
	_ =	sdelay $0x1  }
0x10c: {  	(v2sf) =	vpush v36, $0x0;
	_ =	sdelay $0x7  }
0x10d: {  	s31 =	spop (v2sf)  }
0x10e: {  	s0 =	sadd.s32 s0, s31  }
0x10f: {  	[tilespmem:s0+$0x10200] =	vst.msk vm9, v13  }
0x110: {  	v37 =	vld [tilespmem:$0x100E0];
	_ =	sdelay $0x3  }
0x111: {  	s31 =	spop (v2sf)  }
0x112: {  	vm10 =	vge.f32 v37, v32;
	s0 =	sadd.s32 s0, s31  }
0x113: {  	v33 =	vmpcnt.ones.xlane vm10;
	[tilespmem:s0+$0x10200] =	vst.msk vm10, v14  }
0x114: {  	v38 =	vld [tilespmem:$0x100F0]  }
0x115: {  	(v2sf) =	vpush v33, $0x0;
	_ =	sdelay $0x3  }
0x116: {  	vm11 =	vge.f32 v38, v32  }
0x117: {  	v39 =	vmpcnt.ones.xlane vm11;
	_ =	sdelay $0x1  }
0x118: {  	(v2sf) =	vpush v39, $0x0;
	_ =	sdelay $0x7  }
0x119: {  	s31 =	spop (v2sf)  }
0x11a: {  	s0 =	sadd.s32 s0, s31  }
0x11b: {  	[tilespmem:s0+$0x10200] =	vst.msk vm11, v15  }
0x11c: {  	v40 =	vld [tilespmem:$0x10100];
	_ =	sdelay $0x3  }
0x11d: {  	s31 =	spop (v2sf)  }
0x11e: {  	vm12 =	vge.f32 v40, v32;
	s0 =	sadd.s32 s0, s31  }
0x11f: {  	v33 =	vmpcnt.ones.xlane vm12;
	[tilespmem:s0+$0x10200] =	vst.msk vm12, v16  }
0x120: {  	v41 =	vld [tilespmem:$0x10110]  }
0x121: {  	(v2sf) =	vpush v33, $0x0;
	_ =	sdelay $0x3  }
0x122: {  	vm13 =	vge.f32 v41, v32  }
0x123: {  	v42 =	vmpcnt.ones.xlane vm13;
	_ =	sdelay $0x1  }
0x124: {  	(v2sf) =	vpush v42, $0x0;
	_ =	sdelay $0x7  }
0x125: {  	s31 =	spop (v2sf)  }
0x126: {  	s0 =	sadd.s32 s0, s31  }
0x127: {  	[tilespmem:s0+$0x10200] =	vst.msk vm13, v17  }
0x128: {  	v43 =	vld [tilespmem:$0x10120];
	_ =	sdelay $0x3  }
0x129: {  	s31 =	spop (v2sf)  }
0x12a: {  	vm14 =	vge.f32 v43, v32;
	s0 =	sadd.s32 s0, s31  }
0x12b: {  	v33 =	vmpcnt.ones.xlane vm14;
	[tilespmem:s0+$0x10200] =	vst.msk vm14, v18  }
0x12c: {  	v44 =	vld [tilespmem:$0x10130]  }
0x12d: {  	(v2sf) =	vpush v33, $0x0;
	_ =	sdelay $0x3  }
0x12e: {  	vm15 =	vge.f32 v44, v32  }
0x12f: {  	v45 =	vmpcnt.ones.xlane vm15;
	_ =	sdelay $0x1  }
0x130: {  	(v2sf) =	vpush v45, $0x0;
	_ =	sdelay $0x7  }
0x131: {  	s31 =	spop (v2sf)  }
0x132: {  	s0 =	sadd.s32 s0, s31  }
0x133: {  	[tilespmem:s0+$0x10200] =	vst.msk vm15, v19  }
0x134: {  	v46 =	vld [tilespmem:$0x10140];
	_ =	sdelay $0x3  }
0x135: {  	s31 =	spop (v2sf)  }
0x136: {  	vm4 =	vge.f32 v46, v32;
	s0 =	sadd.s32 s0, s31  }
0x137: {  	v33 =	vmpcnt.ones.xlane vm4;
	[tilespmem:s0+$0x10200] =	vst.msk vm4, v20  }
0x138: {  	v47 =	vld [tilespmem:$0x10150]  }
0x139: {  	(v2sf) =	vpush v33, $0x0;
	_ =	sdelay $0x3  }
0x13a: {  	vm5 =	vge.f32 v47, v32  }
0x13b: {  	v48 =	vmpcnt.ones.xlane vm5;
	_ =	sdelay $0x1  }
0x13c: {  	(v2sf) =	vpush v48, $0x0;
	_ =	sdelay $0x7  }
0x13d: {  	s31 =	spop (v2sf)  }
0x13e: {  	s0 =	sadd.s32 s0, s31  }
0x13f: {  	[tilespmem:s0+$0x10200] =	vst.msk vm5, v21  }
0x140: {  	v49 =	vld [tilespmem:$0x10160];
	_ =	sdelay $0x3  }
0x141: {  	s31 =	spop (v2sf)  }
0x142: {  	vm6 =	vge.f32 v49, v32;
	s0 =	sadd.s32 s0, s31  }
0x143: {  	v33 =	vmpcnt.ones.xlane vm6;
	[tilespmem:s0+$0x10200] =	vst.msk vm6, v22  }
0x144: {  	v50 =	vld [tilespmem:$0x10170]  }
0x145: {  	(v2sf) =	vpush v33, $0x0;
	_ =	sdelay $0x3  }
0x146: {  	vm7 =	vge.f32 v50, v32  }
0x147: {  	v51 =	vmpcnt.ones.xlane vm7;
	_ =	sdelay $0x1  }
0x148: {  	(v2sf) =	vpush v51, $0x0;
	_ =	sdelay $0x7  }
0x149: {  	s31 =	spop (v2sf)  }
0x14a: {  	s0 =	sadd.s32 s0, s31  }
0x14b: {  	[tilespmem:s0+$0x10200] =	vst.msk vm7, v23  }
0x14c: {  	v52 =	vld [tilespmem:$0x10180];
	_ =	sdelay $0x3  }
0x14d: {  	s31 =	spop (v2sf)  }
0x14e: {  	vm8 =	vge.f32 v52, v32;
	s0 =	sadd.s32 s0, s31  }
0x14f: {  	v33 =	vmpcnt.ones.xlane vm8;
	[tilespmem:s0+$0x10200] =	vst.msk vm8, v24  }
0x150: {  	v53 =	vld [tilespmem:$0x10190]  }
0x151: {  	(v2sf) =	vpush v33, $0x0;
	_ =	sdelay $0x3  }
0x152: {  	vm9 =	vge.f32 v53, v32  }
0x153: {  	v54 =	vmpcnt.ones.xlane vm9;
	_ =	sdelay $0x1  }
0x154: {  	(v2sf) =	vpush v54, $0x0;
	_ =	sdelay $0x7  }
0x155: {  	s31 =	spop (v2sf)  }
0x156: {  	s0 =	sadd.s32 s0, s31  }
0x157: {  	[tilespmem:s0+$0x10200] =	vst.msk vm9, v25  }
0x158: {  	v55 =	vld [tilespmem:$0x101A0];
	_ =	sdelay $0x3  }
0x159: {  	s31 =	spop (v2sf)  }
0x15a: {  	vm10 =	vge.f32 v55, v32;
	s0 =	sadd.s32 s0, s31  }
0x15b: {  	v33 =	vmpcnt.ones.xlane vm10;
	[tilespmem:s0+$0x10200] =	vst.msk vm10, v26  }
0x15c: {  	v56 =	vld [tilespmem:$0x101B0]  }
0x15d: {  	(v2sf) =	vpush v33, $0x0;
	_ =	sdelay $0x3  }
0x15e: {  	vm11 =	vge.f32 v56, v32  }
0x15f: {  	v57 =	vmpcnt.ones.xlane vm11;
	_ =	sdelay $0x1  }
0x160: {  	(v2sf) =	vpush v57, $0x0;
	_ =	sdelay $0x7  }
0x161: {  	s31 =	spop (v2sf)  }
0x162: {  	s0 =	sadd.s32 s0, s31  }
0x163: {  	[tilespmem:s0+$0x10200] =	vst.msk vm11, v27  }
0x164: {  	v58 =	vld [tilespmem:$0x101C0];
	_ =	sdelay $0x3  }
0x165: {  	s31 =	spop (v2sf)  }
0x166: {  	vm12 =	vge.f32 v58, v32;
	s0 =	sadd.s32 s0, s31  }
0x167: {  	v33 =	vmpcnt.ones.xlane vm12;
	[tilespmem:s0+$0x10200] =	vst.msk vm12, v28  }
0x168: {  	v59 =	vld [tilespmem:$0x101D0]  }
0x169: {  	(v2sf) =	vpush v33, $0x0;
	_ =	sdelay $0x3  }
0x16a: {  	vm13 =	vge.f32 v59, v32  }
0x16b: {  	v60 =	vmpcnt.ones.xlane vm13;
	_ =	sdelay $0x1  }
0x16c: {  	(v2sf) =	vpush v60, $0x0;
	_ =	sdelay $0x7  }
0x16d: {  	s31 =	spop (v2sf)  }
0x16e: {  	s0 =	sadd.s32 s0, s31  }
0x16f: {  	[tilespmem:s0+$0x10200] =	vst.msk vm13, v29  }
0x170: {  	v61 =	vld [tilespmem:$0x101E0];
	_ =	sdelay $0x3  }
0x171: {  	s31 =	spop (v2sf)  }
0x172: {  	vm14 =	vge.f32 v61, v32;
	s0 =	sadd.s32 s0, s31  }
0x173: {  	[tilespmem:s0+$0x10200] =	vst.msk vm14, v30  }
0x174: {  	v62 =	vld [tilespmem:$0x101F0];
	_ =	sdelay $0x4  }
0x175: {  	v63 =	vmpcnt.ones.xlane vm14;
	vm15 =	vge.f32 v62, v32  }
0x176: {  	v32 =	vmpcnt.ones.xlane vm15  }
0x177: {  	(v2sf) =	vpush v63, $0x0  }
0x178: {  	(v2sf) =	vpush v32, $0x0;
	_ =	sdelay $0xd  }
0x179: {  	s31 =	spop (v2sf)  }
0x17a: {  	s0 =	sadd.s32 s0, s31;
	s31 =	spop (v2sf)  }
0x17b: {  	s30 =	sadd.s32 s0, s31  }
0x17c: {  	p0 =	slt.s32 s30, $0x1  }
.Ltmp6:
0x17d: {  	_ = 	snop;
	(pc) =	sbr.rel @p0 .LBB2_7-.Ltmp6, $2  }
0x17e: {  	_ =	sdelay $0x2  }
0x17f: {  	[tilespmem:s0+$0x10200] =	vst.msk vm15, v31  }
0x180: {  	v32 =	vmov s30  }
0x181: {  	v33 =	vmov s29;
	v35 =	vimm.f32 $-Inf;
	v36 =	vimm.f32 $-Inf  }
0x182: {  	v38 =	vimm.f32 $-Inf;
	v37 =	vimm.f32 $-Inf;
	v39 =	vimm.f32 $-Inf  }
0x183: {  	s29 =	simm.s32 $0x10200;
	s31 =	simm.s32 $0x0;
	v40 =	vimm.f32 $-Inf;
	v41 =	vimm.f32 $-Inf;
	v42 =	vimm.f32 $-Inf  }
.LBB2_9:
0x184: {  	v34 =	vld [tilespmem:s29+$0x0];
	_ =	sdelay $0x2  }
0x185: {  	v43 =	vor.u32 s31, v0  }
0x186: {  	vm0 =	vlt.s32 v43, v32  }
0x187: {  	v34 =	vnsel vm0, $0x0, v34  }
0x188: {  	v55 =	vshll.u32 v34, $0x4  }
0x189: {  	v43 =	vand.u32 $0xFFFFFF00, v55  }
0x18a: {  	v34 =	vand.u32 $0xF, v34;
	v43 =	vadd.s32 v33, v43  }
0x18b: {  	v34 =	vor.u32 v34, v43;
	_ =	sdelay $0x1  }
0x18c: {  	v44 =	vor.u32 $0x10, v34;
	_ =	sdelay $0x2  }
0x18d: {  	v43 =	vld.idx.msk [tilespmem:v34+s3+$0x0], vm0  }
0x18e: {  	v46 =	vor.u32 $0x20, v34  }
0x18f: {  	v44 =	vld.idx.msk [tilespmem:v44+s3+$0x0], vm0;
	_ =	sdelay $0x2  }
0x190: {  	v48 =	vor.u32 $0x30, v34;
	v43 =	vnsel vm0, $0xFF800000, v43  }
0x191: {  	v49 =	vor.u32 $0x40, v34;
	v52 =	vld.idx.msk [tilespmem:v46+s3+$0x0], vm0;
	v45 =	vmin.f32 v42, v43;
	v42 =	vmax.f32 v42, v43  }
0x192: {  	v63 =	vnsel vm0, $0xFF800000, v44;
	v47 =	vmin.f32 v41, v45;
	v57 =	vmax.f32 v41, v45  }
0x193: {  	v54 =	vmin.f32 v42, v63;
	v56 =	vmin.f32 v40, v47;
	v58 =	vmax.f32 v40, v47  }
0x194: {  	v41 =	vmax.f32 v57, v54;
	v59 =	vmin.f32 v39, v56;
	v60 =	vmax.f32 v39, v56  }
0x195: {  	v56 =	vmin.f32 v57, v54;
	v61 =	vmax.f32 v37, v59;
	v62 =	vmin.f32 v37, v59  }
0x196: {  	v57 =	vmin.f32 v58, v56;
	v59 =	vnsel vm0, $0xFF800000, v52;
	v45 =	vmax.f32 v38, v62  }
0x197: {  	v37 =	vmin.f32 v38, v62;
	v38 =	vmax.f32 v42, v63;
	v39 =	vmin.f32 v60, v57  }
0x198: {  	v53 =	vmin.f32 v36, v37;
	v55 =	vmax.f32 v36, v37;
	v37 =	vmax.f32 v58, v56  }
0x199: {  	v58 =	vmax.f32 v60, v57;
	v42 =	vmax.f32 v61, v39;
	v39 =	vmin.f32 v61, v39  }
0x19a: {  	v62 =	vld.idx.msk [tilespmem:v48+s3+$0x0], vm0;
	v61 =	vmin.f32 v38, v59;
	v38 =	vmax.f32 v38, v59;
	v35 =	vmax.f32 v35, v53  }
0x19b: {  	v60 =	vmax.f32 v45, v39;
	v39 =	vmin.f32 v45, v39;
	v52 =	vmin.f32 v41, v61  }
0x19c: {  	v59 =	vld.idx.msk [tilespmem:v49+s3+$0x0], vm0;
	v41 =	vmax.f32 v41, v61;
	v63 =	vmin.f32 v55, v39;
	v53 =	vmin.f32 v37, v52  }
0x19d: {  	v36 =	vmax.f32 v55, v39;
	v37 =	vmax.f32 v37, v52;
	v54 =	vmin.f32 v58, v53  }
0x19e: {  	v35 =	vmax.f32 v35, v63;
	v39 =	vmax.f32 v58, v53;
	v55 =	vmin.f32 v42, v54  }
0x19f: {  	v42 =	vmax.f32 v42, v54;
	v57 =	vnsel vm0, $0xFF800000, v62;
	v56 =	vmax.f32 v60, v55  }
0x1a0: {  	v40 =	vmin.f32 v60, v55;
	v58 =	vmin.f32 v38, v57;
	v60 =	vor.u32 $0x50, v34  }
0x1a1: {  	v63 =	vmax.f32 v38, v57;
	v52 =	vnsel vm0, $0xFF800000, v59;
	v55 =	vor.u32 $0x60, v34  }
0x1a2: {  	v61 =	vmax.f32 v36, v40;
	v36 =	vmin.f32 v36, v40;
	v62 =	vmin.f32 v41, v58  }
0x1a3: {  	v41 =	vmax.f32 v41, v58;
	v46 =	vmin.f32 v63, v52;
	v49 =	vmin.f32 v37, v62  }
0x1a4: {  	v35 =	vmax.f32 v35, v36;
	v37 =	vmax.f32 v37, v62;
	v50 =	vmin.f32 v39, v49  }
0x1a5: {  	v36 =	vmax.f32 v63, v52;
	v51 =	vmax.f32 v42, v50;
	v40 =	vmin.f32 v42, v50  }
0x1a6: {  	v42 =	vmax.f32 v56, v40;
	v40 =	vmin.f32 v56, v40;
	v53 =	vld.idx.msk [tilespmem:v60+s3+$0x0], vm0;
	v56 =	vmin.f32 v41, v46  }
0x1a7: {  	v38 =	vmax.f32 v39, v49;
	v41 =	vmax.f32 v41, v46;
	v57 =	vmin.f32 v37, v56  }
0x1a8: {  	v54 =	vmin.f32 v61, v40;
	v58 =	vmax.f32 v38, v57;
	v38 =	vmin.f32 v38, v57  }
0x1a9: {  	v62 =	vld.idx.msk [tilespmem:v55+s3+$0x0], vm0;
	v40 =	vmax.f32 v61, v40;
	v43 =	vmax.f32 v51, v38;
	v38 =	vmin.f32 v51, v38  }
0x1aa: {  	v37 =	vmax.f32 v37, v56;
	v60 =	vmax.f32 v42, v38;
	v38 =	vmin.f32 v42, v38  }
0x1ab: {  	v35 =	vmax.f32 v35, v54;
	v59 =	vnsel vm0, $0xFF800000, v53;
	v63 =	vmin.f32 v40, v38  }
0x1ac: {  	v53 =	vor.u32 $0x70, v34;
	v38 =	vmax.f32 v40, v38;
	v61 =	vmin.f32 v36, v59  }
0x1ad: {  	v35 =	vmax.f32 v35, v63;
	v36 =	vmax.f32 v36, v59;
	v52 =	vmin.f32 v41, v61  }
0x1ae: {  	v59 =	vnsel vm0, $0xFF800000, v62;
	v62 =	vor.u32 $0x80, v34;
	v54 =	vmin.f32 v37, v52  }
0x1af: {  	v55 =	vmax.f32 v41, v61;
	v37 =	vmax.f32 v37, v52;
	v56 =	vmin.f32 v58, v54  }
0x1b0: {  	v40 =	vmax.f32 v58, v54;
	v57 =	vmin.f32 v43, v56;
	v41 =	vmax.f32 v43, v56  }
0x1b1: {  	v61 =	vld.idx.msk [tilespmem:v53+s3+$0x0], vm0;
	v58 =	vmax.f32 v60, v57;
	v42 =	vmin.f32 v60, v57;
	v60 =	vmin.f32 v36, v59  }
0x1b2: {  	v56 =	vor.u32 $0x90, v34;
	v36 =	vmax.f32 v36, v59;
	v49 =	vmin.f32 v55, v60  }
0x1b3: {  	v54 =	vld.idx.msk [tilespmem:v62+s3+$0x0], vm0;
	v63 =	vmax.f32 v38, v42;
	v38 =	vmin.f32 v38, v42;
	v50 =	vmin.f32 v37, v49  }
0x1b4: {  	v39 =	vmax.f32 v55, v60;
	v35 =	vmax.f32 v35, v38;
	v51 =	vmin.f32 v40, v50  }
0x1b5: {  	v37 =	vmax.f32 v37, v49;
	v52 =	vmax.f32 v41, v51;
	v41 =	vmin.f32 v41, v51  }
0x1b6: {  	v38 =	vmax.f32 v40, v50;
	v53 =	vnsel vm0, $0xFF800000, v61;
	v42 =	vmax.f32 v58, v41  }
0x1b7: {  	v41 =	vmin.f32 v58, v41;
	v46 =	vmin.f32 v36, v53;
	v36 =	vmax.f32 v36, v53  }
0x1b8: {  	v60 =	vnsel vm0, $0xFF800000, v54;
	v54 =	vor.u32 $0xA0, v34;
	v55 =	vmin.f32 v63, v41  }
0x1b9: {  	v41 =	vmax.f32 v63, v41;
	v57 =	vmin.f32 v39, v46;
	v39 =	vmax.f32 v39, v46  }
0x1ba: {  	v62 =	vmin.f32 v36, v60;
	v36 =	vmax.f32 v36, v60;
	v35 =	vmax.f32 v35, v55  }
0x1bb: {  	v58 =	vmin.f32 v37, v57;
	v37 =	vmax.f32 v37, v57;
	v53 =	vmin.f32 v39, v62  }
0x1bc: {  	v63 =	vld.idx.msk [tilespmem:v56+s3+$0x0], vm0;
	v39 =	vmax.f32 v39, v62;
	v62 =	vor.u32 $0xB0, v34;
	v59 =	vmax.f32 v38, v58  }
0x1bd: {  	v38 =	vmin.f32 v38, v58;
	v55 =	vmin.f32 v37, v53;
	v37 =	vmax.f32 v37, v53  }
0x1be: {  	v43 =	vmax.f32 v52, v38;
	v38 =	vmin.f32 v52, v38;
	v56 =	vmin.f32 v59, v55  }
0x1bf: {  	v61 =	vmax.f32 v42, v38;
	v38 =	vmin.f32 v42, v38;
	v57 =	vmin.f32 v43, v56  }
0x1c0: {  	v40 =	vmax.f32 v43, v56;
	v52 =	vmin.f32 v41, v38;
	v38 =	vmax.f32 v41, v38  }
0x1c1: {  	v41 =	vmax.f32 v59, v55;
	v58 =	vmax.f32 v61, v57;
	v59 =	vnsel vm0, $0xFF800000, v63  }
0x1c2: {  	v42 =	vmin.f32 v61, v57;
	v61 =	vld.idx.msk [tilespmem:v54+s3+$0x0], vm0;
	v35 =	vmax.f32 v35, v52;
	v60 =	vmin.f32 v36, v59  }
0x1c3: {  	v63 =	vmax.f32 v38, v42;
	v38 =	vmin.f32 v38, v42;
	v52 =	vmin.f32 v39, v60  }
0x1c4: {  	v36 =	vmax.f32 v36, v59;
	v59 =	vor.u32 $0xC0, v34;
	v53 =	vmin.f32 v37, v52  }
0x1c5: {  	v57 =	vld.idx.msk [tilespmem:v62+s3+$0x0], vm0;
	v35 =	vmax.f32 v35, v38;
	v39 =	vmax.f32 v39, v60;
	v54 =	vmin.f32 v41, v53  }
0x1c6: {  	v37 =	vmax.f32 v37, v52;
	v38 =	vmax.f32 v41, v53;
	v55 =	vmax.f32 v40, v54  }
0x1c7: {  	v40 =	vmin.f32 v40, v54;
	v56 =	vnsel vm0, $0xFF800000, v61;
	v54 =	vor.u32 $0xD0, v34  }
0x1c8: {  	v42 =	vmax.f32 v58, v40;
	v40 =	vmin.f32 v58, v40;
	v46 =	vmin.f32 v36, v56  }
0x1c9: {  	v36 =	vmax.f32 v36, v56;
	v58 =	vmin.f32 v63, v40;
	v40 =	vmax.f32 v63, v40  }
0x1ca: {  	v60 =	vmin.f32 v39, v46;
	v39 =	vmax.f32 v39, v46;
	v63 =	vnsel vm0, $0xFF800000, v57  }
0x1cb: {  	v35 =	vmax.f32 v35, v58;
	v61 =	vmin.f32 v37, v60;
	v37 =	vmax.f32 v37, v60  }
0x1cc: {  	v47 =	vld.idx.msk [tilespmem:v59+s3+$0x0], vm0;
	v53 =	vmin.f32 v36, v63;
	v36 =	vmax.f32 v36, v63;
	v62 =	vmax.f32 v38, v61  }
0x1cd: {  	v38 =	vmin.f32 v38, v61;
	v56 =	vmin.f32 v39, v53;
	v39 =	vmax.f32 v39, v53  }
0x1ce: {  	v53 =	vor.u32 $0xE0, v34;
	v34 =	vor.u32 $0xF0, v34;
	v43 =	vmax.f32 v55, v38  }
0x1cf: {  	v38 =	vmin.f32 v55, v38;
	v57 =	vmin.f32 v37, v56;
	v37 =	vmax.f32 v37, v56  }
0x1d0: {  	v52 =	vmin.f32 v42, v38;
	v38 =	vmax.f32 v42, v38;
	v58 =	vmin.f32 v62, v57  }
0x1d1: {  	v42 =	vmax.f32 v62, v57;
	v61 =	vnsel vm0, $0xFF800000, v47;
	v55 =	vmin.f32 v40, v52  }
0x1d2: {  	v62 =	vld.idx.msk [tilespmem:v54+s3+$0x0], vm0;
	v40 =	vmax.f32 v40, v52;
	v59 =	vmin.f32 v43, v58;
	v41 =	vmax.f32 v43, v58  }
0x1d3: {  	v47 =	vmin.f32 v36, v61;
	v36 =	vmax.f32 v36, v61;
	v35 =	vmax.f32 v35, v55  }
0x1d4: {  	v60 =	vmin.f32 v38, v59;
	v38 =	vmax.f32 v38, v59;
	v52 =	vmin.f32 v39, v47  }
0x1d5: {  	v39 =	vmax.f32 v39, v47;
	v63 =	vmax.f32 v40, v60;
	v40 =	vmin.f32 v40, v60  }
0x1d6: {  	v54 =	vmin.f32 v37, v52;
	v37 =	vmax.f32 v37, v52;
	v61 =	vld.idx.msk [tilespmem:v53+s3+$0x0], vm0;
	v35 =	vmax.f32 v35, v40  }
0x1d7: {  	v34 =	vld.idx.msk [tilespmem:v34+s3+$0x0], vm0;
	v55 =	vmax.f32 v42, v54;
	v40 =	vmin.f32 v42, v54;
	v56 =	vnsel vm0, $0xFF800000, v62  }
0x1d8: {  	v57 =	vmax.f32 v41, v40;
	v40 =	vmin.f32 v41, v40;
	v58 =	vmin.f32 v36, v56  }
0x1d9: {  	v59 =	vmax.f32 v38, v40;
	v38 =	vmin.f32 v38, v40;
	v36 =	vmax.f32 v36, v56  }
0x1da: {  	v60 =	vmin.f32 v39, v58;
	v62 =	vmax.f32 v63, v38;
	v38 =	vmin.f32 v63, v38  }
0x1db: {  	v39 =	vmax.f32 v39, v58;
	v63 =	vmin.f32 v37, v60;
	v35 =	vmax.f32 v35, v38  }
0x1dc: {  	v37 =	vmax.f32 v37, v60;
	v54 =	vnsel vm0, $0xFF800000, v61;
	v34 =	vnsel vm0, $0xFF800000, v34  }
0x1dd: {  	v49 =	vmin.f32 v55, v63;
	v51 =	vmax.f32 v55, v63;
	v55 =	vmin.f32 v36, v54  }
0x1de: {  	v36 =	vmax.f32 v36, v54;
	v50 =	vmin.f32 v57, v49;
	v38 =	vmax.f32 v57, v49  }
0x1df: {  	v56 =	vmax.f32 v39, v55;
	v39 =	vmin.f32 v39, v55;
	v57 =	vmin.f32 v36, v34  }
0x1e0: {  	v52 =	vmin.f32 v59, v50;
	v40 =	vmax.f32 v59, v50;
	v43 =	vmax.f32 v37, v39  }
0x1e1: {  	v37 =	vmin.f32 v37, v39;
	v58 =	vmin.f32 v56, v57;
	v41 =	vmax.f32 v56, v57  }
0x1e2: {  	v53 =	vmin.f32 v62, v52;
	v42 =	vmax.f32 v62, v52;
	v39 =	vmax.f32 v51, v37  }
0x1e3: {  	s31 =	sadd.s32 $0x10, s31;
	v37 =	vmin.f32 v51, v37;
	v59 =	vmin.f32 v43, v58;
	v35 =	vmax.f32 v35, v53  }
0x1e4: {  	p0 =	slt.s32 s31, s30;
	v45 =	vmax.f32 v38, v37;
	v37 =	vmin.f32 v38, v37;
	v60 =	vmin.f32 v39, v59  }
.Ltmp7:
0x1e5: {  	v39 =	vmax.f32 v39, v59;
	v46 =	vmax.f32 v40, v37;
	v37 =	vmin.f32 v40, v37;
	(pc) =	sbr.rel @p0 .LBB2_9-.Ltmp7, $4  }
0x1e6: {  	v61 =	vmin.f32 v45, v60;
	v40 =	vmax.f32 v43, v58;
	v48 =	vmax.f32 v42, v37  }
0x1e7: {  	v37 =	vmin.f32 v42, v37;
	v42 =	vmax.f32 v36, v34;
	v62 =	vmin.f32 v46, v61  }
0x1e8: {  	v38 =	vmax.f32 v46, v61;
	v35 =	vmax.f32 v35, v37;
	v63 =	vmin.f32 v48, v62  }
0x1e9: {  	s29 =	sadd.s32 $0x10, s29;
	v37 =	vmax.f32 v45, v60;
	v36 =	vmax.f32 v48, v62;
	v35 =	vmax.f32 v35, v63  }
.Ltmp8:
0x1ea: {  	_ = 	snop;
	(pc) =	sbr.rel .LBB2_10-.Ltmp8, $1  }
0x1eb: {  	_ =	sdelay $0x3  }
.LBB2_12:
0x1ec: {  	_ =	sfence.sel $0x180000  }
0x1ed: {  	[bflag:$0x0] =	sbarrier.arrive $0xFFFF  }
0x1ee: {  	_ =	strace $0x90000047  }
0x1ef: {  	s0 =	stileid.u32;
	[bflag:$0x2] =	sbarrier.arrive $0xFFFF  }
0x1f0: {  	p0 =	sne.s32 s0, $0x0;
	s0 =	rddreg [dreg:$0x2]  }
0x1f1: {  	s0 =	sadd.s32 @!p0 $0x100000, s0  }
0x1f2: {  	[sflag:s0] =	ssyncadd.tile.s32 @!p0 $0x1;
	_ =	shalt  }
.Lfunc_end2:
_tile_overlayer_lowered:
.L_overlay_start_2:
0x1f3: {  	(tag) =	ssettag $0x2  }
0x1f4: {  	s0 =	rddreg [dreg:$0x0];
	s2 =	stileid.u32  }
0x1f5: {  	s1 =	rddreg [dreg:$0x1];
	p0 =	sne.s32 s2, $0x0  }
0x1f6: {  	s3 =	rddreg [dreg:$0x2];
	[bflag:$0x3] =	sbarrier.arrive $0xFFFF;
	s2 =	simm.s32 @!p0 $0x1C09  }
0x1f7: {  	[timem:s3], [sflag:s2] =	dma.local @!p0 [hbm:s0], s1  }
0x1f8: {  	s0 =	simm.s32 @!p0 $0x9  }
0x1f9: {  	_ =	swait.ge @!p0 [sflag:s0], s1  }
0x1fa: {  	s1 =	ssub.s32 @!p0 $0x0, s1;
	[sflag:s0] =	ssyncset.done @!p0 $0x0  }
0x1fb: {  	[sflag:s0] =	ssyncadd.s32 @!p0 s1  }
0x1fc: {  	[bflag:$0x3] =	sbarrier.arrive $0xFFFF  }
0x1fd: {  	_ =	shalt  }

</sc_bundles>
